<compile_context>
chip_gen: v7x
topology: tpu7x:2x2x1
jax: 0.10.2.dev20260603
libtpu: 0.0.44.dev20260713+nightly
codegen_flags: <defaults>
</compile_context>

<pallas_src>
import functools

import jax
import jax.numpy as jnp
from jax import lax
from jax.experimental import pallas as pl
from jax.experimental.pallas import tpu as pltpu
from jax.experimental.pallas import tpu_sc as plsc

_R2 = 64.0 - 2.0 ** -19
_N = 5000
_B = 256
_NPAD = 5120
_NB = _NPAD // _B
_FAR = 1.0e9


def _col(mat_eye, row):
    return jnp.sum(jnp.where(mat_eye, row, 0.0), axis=1, keepdims=True)


def _rank_kernel(s_row, ranks_ref):
    ranks_ref[...] = jnp.zeros((1, _NPAD), jnp.int32)
    ii = lax.broadcasted_iota(jnp.int32, (_B, _B), 0)
    jj = lax.broadcasted_iota(jnp.int32, (_B, _B), 1)
    eye = ii == jj
    rmc = ii - jj

    def cj_body(cj, _):
        sj_row = s_row[:, pl.ds(cj * _B, _B)]
        sj_col = _col(eye, sj_row)

        def count(bi):
            si_row = s_row[:, pl.ds(bi * _B, _B)]
            gt = sj_col > si_row
            eq = sj_col == si_row
            before = rmc < (bi - cj) * _B
            inc = jnp.where(gt | (eq & before), 1, 0)
            return jnp.sum(inc, axis=0, keepdims=True)

        def bi_body(t, _):
            accs = [count(4 * t + u) for u in range(4)]
            for u in range(4):
                ranks_ref[:, pl.ds((4 * t + u) * _B, _B)] += accs[u]
            return 0

        lax.fori_loop(0, _NB // 4, bi_body, 0)
        return 0

    lax.fori_loop(0, _NB, cj_body, 0)


def _nms_kernel(y_row, x_row, keep_ref, y_sc, x_sc):
    ii = lax.broadcasted_iota(jnp.int32, (_B, _B), 0)
    jj = lax.broadcasted_iota(jnp.int32, (_B, _B), 1)
    tri = ii < jj
    eye = ii == jj

    def init_body(b, _):
        y_sc[pl.ds(b * _B, _B), :] = _col(eye, y_row[:, pl.ds(b * _B, _B)])
        x_sc[pl.ds(b * _B, _B), :] = _col(eye, x_row[:, pl.ds(b * _B, _B)])
        return 0

    lax.fori_loop(0, _NB, init_body, 0)

    def block_body(b, _):
        yb_row = y_row[:, pl.ds(b * _B, _B)]
        xb_row = x_row[:, pl.ds(b * _B, _B)]

        def chunk_body(c, supp):
            yc = y_sc[pl.ds(c * _B, _B), :]
            xc = x_sc[pl.ds(c * _B, _B), :]
            dy = yc - yb_row
            dx = xc - xb_row
            d2 = dy * dy + dx * dx
            hit = jnp.where(d2 < _R2, 1.0, 0.0)
            return jnp.maximum(supp, jnp.max(hit, axis=0, keepdims=True))

        def chunk_pair(t, supp):
            return chunk_body(2 * t + 1, chunk_body(2 * t, supp))

        supp = lax.fori_loop(0, b // 2, chunk_pair,
                             jnp.zeros((1, _B), jnp.float32))
        supp = lax.cond(b % 2 == 1,
                        lambda s: chunk_body(b - 1, s),
                        lambda s: s, supp)
        alive0 = 1.0 - supp

        yb_col = y_sc[pl.ds(b * _B, _B), :]
        xb_col = x_sc[pl.ds(b * _B, _B), :]
        dyb = yb_col - yb_row
        dxb = xb_col - xb_row
        d2b = dyb * dyb + dxb * dxb
        adj = jnp.where((d2b < _R2) & tri, 1.0, 0.0)

        def sweep(alive):
            s = jnp.dot(alive, adj, preferred_element_type=jnp.float32)
            return alive0 * jnp.where(s > 0.0, 0.0, 1.0)

        def fp_cond(st):
            return st[1]

        def fp_body(st):
            alive, _ = st
            new = sweep(sweep(alive))
            return new, jnp.any(new != alive)

        alive, _ = lax.while_loop(fp_cond, fp_body, (alive0, True))

        keep_ref[:, pl.ds(b * _B, _B)] = alive
        alive_col = _col(eye, alive)
        dead = alive_col < 0.5
        y_sc[pl.ds(b * _B, _B), :] = jnp.where(dead, _FAR, yb_col)
        x_sc[pl.ds(b * _B, _B), :] = jnp.where(dead, _FAR, xb_col)
        return 0

    lax.fori_loop(0, _NB, block_body, 0)


_L = 16
_CW = 128
_NCH = _NPAD // _CW
_NWORK = 32


def _sc_mesh():
    return plsc.VectorSubcoreMesh(core_axis_name="c", subcore_axis_name="s")


def _sc_scatter_coords_fn(ranks_hbm, ys_hbm, xs_hbm, yo_hbm, xo_hbm,
                          idx_v, y_v, x_v, yo_sh, xo_sh):
    sid = lax.axis_index("s")
    cid = lax.axis_index("c")

    @pl.when(cid == 0)
    def _():
        for rep in range(3):
            j = sid + rep * 16

            @pl.when(j < _NCH)
            def _():
                pltpu.sync_copy(ranks_hbm.at[j], idx_v)
                pltpu.sync_copy(ys_hbm.at[j], y_v)
                pltpu.sync_copy(xs_hbm.at[j], x_v)
                pltpu.sync_copy(y_v, yo_sh.at[idx_v])
                pltpu.sync_copy(x_v, xo_sh.at[idx_v])

        plsc.subcore_barrier()

        @pl.when(sid == 0)
        def _():
            pltpu.sync_copy(yo_sh, yo_hbm)

        @pl.when(sid == 1)
        def _():
            pltpu.sync_copy(xo_sh, xo_hbm)


def _sc_gather_keep_fn(ranks_hbm, keep_hbm, scores_hbm, keepo_hbm, kept_hbm,
                       idx_v, kf_v, s_v, kept_v):
    wid = lax.axis_index("s") * 2 + lax.axis_index("c")
    for rep in range(2):
        j = wid + rep * _NWORK

        @pl.when(j < _NCH)
        def _():
            pltpu.sync_copy(ranks_hbm.at[j], idx_v)
            pltpu.sync_copy(scores_hbm.at[j], s_v)
            pltpu.sync_copy(keep_hbm.at[idx_v], kf_v)

            def body(t, _):
                sl = pl.ds(t * _L, _L)
                kept_v[sl] = s_v[sl] * kf_v[sl]
                return 0

            lax.fori_loop(0, _CW // _L, body, 0)
            pltpu.sync_copy(kf_v, keepo_hbm.at[pl.ds(j * _CW, _CW)])
            pltpu.sync_copy(kept_v, kept_hbm.at[pl.ds(j * _CW, _CW)])


@functools.partial(jax.jit, static_argnames=("interpret",))
def kernel(coords, scores, interpret=False):
    pad = _NPAD - _N
    s_pad = jnp.concatenate([scores, jnp.full((pad,), -1.0, jnp.float32)])
    padv = 1.0e6 + 100.0 * jnp.arange(pad, dtype=jnp.float32)
    ys_u = jnp.concatenate([coords[:, 0], padv])
    xs_u = jnp.concatenate([coords[:, 1], padv])

    ranks = pl.pallas_call(
        _rank_kernel,
        out_shape=jax.ShapeDtypeStruct((1, _NPAD), jnp.int32),
        interpret=interpret,
    )(s_pad[None, :])[0]

    sc_scatter_coords = functools.partial(
        pl.kernel, mesh=_sc_mesh(),
        out_type=(jax.ShapeDtypeStruct((_NPAD,), jnp.float32),
                  jax.ShapeDtypeStruct((_NPAD,), jnp.float32)),
        scratch_types=[pltpu.VMEM((_CW,), jnp.int32),
                       pltpu.VMEM((_CW,), jnp.float32),
                       pltpu.VMEM((_CW,), jnp.float32),
                       pltpu.VMEM_SHARED((_NPAD,), jnp.float32),
                       pltpu.VMEM_SHARED((_NPAD,), jnp.float32)],
    )(_sc_scatter_coords_fn)
    ys_s, xs_s = sc_scatter_coords(ranks.reshape(_NCH, _CW),
                                   ys_u.reshape(_NCH, _CW),
                                   xs_u.reshape(_NCH, _CW))

    keep_sorted = pl.pallas_call(
        _nms_kernel,
        out_shape=jax.ShapeDtypeStruct((1, _NPAD), jnp.float32),
        scratch_shapes=[
            pltpu.VMEM((_NPAD, 1), jnp.float32),
            pltpu.VMEM((_NPAD, 1), jnp.float32),
        ],
        interpret=interpret,
    )(ys_s[None, :], xs_s[None, :])[0]

    sc_gather_keep = functools.partial(
        pl.kernel, mesh=_sc_mesh(),
        out_type=(jax.ShapeDtypeStruct((_NPAD,), jnp.float32),
                  jax.ShapeDtypeStruct((_NPAD,), jnp.float32)),
        scratch_types=[pltpu.VMEM((_CW,), jnp.int32),
                       pltpu.VMEM((_CW,), jnp.float32),
                       pltpu.VMEM((_CW,), jnp.float32),
                       pltpu.VMEM((_CW,), jnp.float32)],
    )(_sc_gather_keep_fn)
    s_zpad = jnp.concatenate([scores, jnp.zeros((pad,), jnp.float32)])
    keep_f, kept_f = sc_gather_keep(ranks.reshape(_NCH, _CW),
                                    keep_sorted,
                                    s_zpad.reshape(_NCH, _CW))
    keep = keep_f[:_N] > 0.5
    kept_scores = kept_f[:_N]
    return keep, kept_scores

# --- scband reference (transcript-rebuilt; emitter-appended) ---
"""Pipeline reference for scband-model-5660766896137 (READ-ONLY COPY).

The authoritative reference and input builder live on the scoring server;
editing this copy changes nothing except your own understanding.
"""

import jax, jax.numpy as jnp
import numpy as np

RADIUS = 8.0
N = 5000


def setup_inputs(seed: int = 0) -> dict:
    key = jax.random.key(seed)
    k1, k2 = jax.random.split(key)
    coords = jax.random.uniform(k1, (N, 2), dtype=jnp.float32, minval=0.0, maxval=512.0)
    scores = jax.random.uniform(k2, (N,), dtype=jnp.float32)
    return {"coords": coords, "scores": scores}


def _grid_nms_keep(coords, scores, radius):
    # Faithful port of grid_nms: sort by score desc, pairwise euclidean
    # distance matrix, sequential greedy suppression.
    n = coords.shape[0]
    sorted_indices = jnp.argsort(-scores)
    sorted_coords = coords[sorted_indices]
    y = sorted_coords[:, 0][:, None]
    x = sorted_coords[:, 1][:, None]
    dist_matrix = jnp.sqrt((y - y.T) ** 2 + (x - x.T) ** 2)
    ar = jnp.arange(n)

    def body(i, keep):
        # suppress = (dist_matrix[i] < radius) & keep; suppress[:i+1] = False
        suppress = (dist_matrix[i] < radius) & keep & (ar > i)
        # only apply suppression if point i itself is still kept
        return jnp.where(keep[i], keep & (~suppress), keep)

    keep_sorted = jax.lax.fori_loop(0, n, body, jnp.ones((n,), dtype=bool))
    # map keep mask back to original (unsorted) order
    keep_orig = jnp.zeros((n,), dtype=bool).at[sorted_indices].set(keep_sorted)
    return keep_orig


def reference(coords, scores):
    keep = _grid_nms_keep(coords, scores, RADIUS)
    kept_scores = scores * keep.astype(scores.dtype)
    return keep, kept_scores

if __name__ == "__main__":
    import jax
    _d = setup_inputs()
    print(jax.jit(kernel)(*tuple(_d.values())))

</pallas_src>

<mosaic_0001>
#map = affine_map<(d0, d1) -> (0, 0)>
#map1 = affine_map<(d0, d1) -> (0)>
module attributes {stable_mosaic.version = 14 : i64} {
  func.func @_sc_gather_keep_fn(%arg0: i32, %arg1: i32, %arg2: memref<40x128xi32, #tpu.memory_space<hbm>>, %arg3: memref<5120xf32, #tpu.memory_space<hbm>>, %arg4: memref<40x128xf32, #tpu.memory_space<hbm>>, %arg5: memref<5120xf32, #tpu.memory_space<hbm>>, %arg6: memref<5120xf32, #tpu.memory_space<hbm>>, %arg7: memref<128xi32, #tpu.memory_space<vmem>>, %arg8: memref<128xf32, #tpu.memory_space<vmem>>, %arg9: memref<128xf32, #tpu.memory_space<vmem>>, %arg10: memref<128xf32, #tpu.memory_space<vmem>>) attributes {dimension_semantics = [#tpu.dimension_semantics<core_parallel>, #tpu.dimension_semantics<subcore_parallel>], iteration_bounds = array<i64: 2, 16>, scalar_prefetch = 0 : i64, scratch_operands = 4 : i64, tpu.core_type = #tpu.core_type<sc_vector_subcore>, window_params = [{transform_indices = #map}, {transform_indices = #map1}, {transform_indices = #map}, {transform_indices = #map1}, {transform_indices = #map1}]} {
    %mul3A = arith.constant 2 : i32
    %mul3A_0 = arith.muli %arg1, %mul3A : i32
    %add3A = arith.addi %mul3A_0, %arg0 : i32
    %add3A_1 = arith.constant 0 : i32
    %add3A_2 = arith.addi %add3A, %add3A_1 : i32
    %lt3A = arith.constant 40 : i32
    %lt3A_3 = arith.cmpi slt, %add3A_2, %lt3A : i32
    %convert_element_type3A = arith.extui %lt3A_3 : i1 to i32
    %cond3A = arith.constant 0 : i32
    %cond3A_4 = arith.cmpi ne, %convert_element_type3A, %cond3A : i32
    scf.if %cond3A_4 {
      "tpu.region"() ({
        %run_scoped3A = tpu.sem_alloc : memref<!tpu.dma_semaphore, #tpu.memory_space<semaphore_mem>>
        %dma_start3A = arith.constant 0 : i32
        %dma_start3A_22 = tpu.memref_slice %arg2[%add3A_2, %dma_start3A] : memref<40x128xi32, #tpu.memory_space<hbm>> -> memref<1x128xi32, #tpu.memory_space<hbm>>
        %dma_start3A_23 = tpu.memref_squeeze %dma_start3A_22 : memref<1x128xi32, #tpu.memory_space<hbm>> -> memref<128xi32, #tpu.memory_space<hbm>>
        %dma_start3A_24 = arith.constant 0 : i32
        %dma_start3A_25 = tpu.memref_slice %arg2[%add3A_2, %dma_start3A_24] : memref<40x128xi32, #tpu.memory_space<hbm>> -> memref<1x128xi32, #tpu.memory_space<hbm>>
        %dma_start3A_26 = tpu.memref_squeeze %dma_start3A_25 : memref<1x128xi32, #tpu.memory_space<hbm>> -> memref<128xi32, #tpu.memory_space<hbm>>
        tpu.enqueue_dma source(%dma_start3A_26 : memref<128xi32, #tpu.memory_space<hbm>>) target(%arg7 : memref<128xi32, #tpu.memory_space<vmem>>) target_semaphore(%run_scoped3A : memref<!tpu.dma_semaphore, #tpu.memory_space<semaphore_mem>>)
        %dma_wait3A = arith.constant 0 : i32
        %dma_wait3A_27 = tpu.memref_slice %arg2[%add3A_2, %dma_wait3A] : memref<40x128xi32, #tpu.memory_space<hbm>> -> memref<1x128xi32, #tpu.memory_space<hbm>>
        %dma_wait3A_28 = tpu.memref_squeeze %dma_wait3A_27 : memref<1x128xi32, #tpu.memory_space<hbm>> -> memref<128xi32, #tpu.memory_space<hbm>>
        %dma_wait3A_29 = arith.constant 0 : i32
        %dma_wait3A_30 = tpu.memref_slice %arg2[%add3A_2, %dma_wait3A_29] : memref<40x128xi32, #tpu.memory_space<hbm>> -> memref<1x128xi32, #tpu.memory_space<hbm>>
        %dma_wait3A_31 = tpu.memref_squeeze %dma_wait3A_30 : memref<1x128xi32, #tpu.memory_space<hbm>> -> memref<128xi32, #tpu.memory_space<hbm>>
        tpu.wait_dma2 semaphore(%run_scoped3A : memref<!tpu.dma_semaphore, #tpu.memory_space<semaphore_mem>>) src(%dma_wait3A_31 : memref<128xi32, #tpu.memory_space<hbm>>) dst(%arg7 : memref<128xi32, #tpu.memory_space<vmem>>)
        tpu.yield
      }) : () -> ()
      "tpu.region"() ({
        %run_scoped3A = tpu.sem_alloc : memref<!tpu.dma_semaphore, #tpu.memory_space<semaphore_mem>>
        %dma_start3A = arith.constant 0 : i32
        %dma_start3A_22 = tpu.memref_slice %arg4[%add3A_2, %dma_start3A] : memref<40x128xf32, #tpu.memory_space<hbm>> -> memref<1x128xf32, #tpu.memory_space<hbm>>
        %dma_start3A_23 = tpu.memref_squeeze %dma_start3A_22 : memref<1x128xf32, #tpu.memory_space<hbm>> -> memref<128xf32, #tpu.memory_space<hbm>>
        %dma_start3A_24 = arith.constant 0 : i32
        %dma_start3A_25 = tpu.memref_slice %arg4[%add3A_2, %dma_start3A_24] : memref<40x128xf32, #tpu.memory_space<hbm>> -> memref<1x128xf32, #tpu.memory_space<hbm>>
        %dma_start3A_26 = tpu.memref_squeeze %dma_start3A_25 : memref<1x128xf32, #tpu.memory_space<hbm>> -> memref<128xf32, #tpu.memory_space<hbm>>
        tpu.enqueue_dma source(%dma_start3A_26 : memref<128xf32, #tpu.memory_space<hbm>>) target(%arg9 : memref<128xf32, #tpu.memory_space<vmem>>) target_semaphore(%run_scoped3A : memref<!tpu.dma_semaphore, #tpu.memory_space<semaphore_mem>>)
        %dma_wait3A = arith.constant 0 : i32
        %dma_wait3A_27 = tpu.memref_slice %arg4[%add3A_2, %dma_wait3A] : memref<40x128xf32, #tpu.memory_space<hbm>> -> memref<1x128xf32, #tpu.memory_space<hbm>>
        %dma_wait3A_28 = tpu.memref_squeeze %dma_wait3A_27 : memref<1x128xf32, #tpu.memory_space<hbm>> -> memref<128xf32, #tpu.memory_space<hbm>>
        %dma_wait3A_29 = arith.constant 0 : i32
        %dma_wait3A_30 = tpu.memref_slice %arg4[%add3A_2, %dma_wait3A_29] : memref<40x128xf32, #tpu.memory_space<hbm>> -> memref<1x128xf32, #tpu.memory_space<hbm>>
        %dma_wait3A_31 = tpu.memref_squeeze %dma_wait3A_30 : memref<1x128xf32, #tpu.memory_space<hbm>> -> memref<128xf32, #tpu.memory_space<hbm>>
        tpu.wait_dma2 semaphore(%run_scoped3A : memref<!tpu.dma_semaphore, #tpu.memory_space<semaphore_mem>>) src(%dma_wait3A_31 : memref<128xf32, #tpu.memory_space<hbm>>) dst(%arg9 : memref<128xf32, #tpu.memory_space<vmem>>)
        tpu.yield
      }) : () -> ()
      "tpu.region"() ({
        %run_scoped3A = tpu.sem_alloc : memref<!tpu.dma_semaphore, #tpu.memory_space<semaphore_mem>>
        %dma_start3A = arith.constant 0 : i32
        %dma_start3A_22 = tpu.memref_slice %arg3[%dma_start3A] : memref<5120xf32, #tpu.memory_space<hbm>> -> memref<5120xf32, #tpu.memory_space<hbm>>
        tpu.enqueue_indirect_dma source(%dma_start3A_22 : memref<5120xf32, #tpu.memory_space<hbm>>) target(%arg8 : memref<128xf32, #tpu.memory_space<vmem>>) offsets(%arg7 : memref<128xi32, #tpu.memory_space<vmem>>) semaphore(%run_scoped3A : memref<!tpu.dma_semaphore, #tpu.memory_space<semaphore_mem>>)
        %dma_wait3A = arith.constant 0 : i32
        %dma_wait3A_23 = tpu.memref_slice %arg3[%dma_wait3A] : memref<5120xf32, #tpu.memory_space<hbm>> -> memref<5120xf32, #tpu.memory_space<hbm>>
        tpu.wait_indirect_dma semaphore(%run_scoped3A : memref<!tpu.dma_semaphore, #tpu.memory_space<semaphore_mem>>) src(%dma_wait3A_23 : memref<5120xf32, #tpu.memory_space<hbm>>) dst(%arg8 : memref<128xf32, #tpu.memory_space<vmem>>)
        tpu.yield
      }) : () -> ()
      %scan3A = arith.constant 0 : i32
      %scan3A_12 = arith.constant 0 : i32
      %scan3A_13 = arith.constant 8 : i32
      %scan3A_14 = arith.addi %scan3A_12, %scan3A_13 : i32
      %scan3A_15 = arith.constant 1 : i32
      %scan3A_16 = scf.for %scan3A_22 = %scan3A_12 to %scan3A_14 step %scan3A_15 iter_args(%scan3A_23 = %scan3A) -> (i32)  : i32 {
        %mul3A_24 = arith.constant 16 : i32
        %mul3A_25 = arith.muli %scan3A_22, %mul3A_24 : i32
        %get3A = arith.index_cast %mul3A_25 : i32 to index
        %get3A_26 = tpu.vector_load %arg9[%get3A] {strides = array<i32>} : memref<128xf32, #tpu.memory_space<vmem>>, vector<16xf32>,
        %get3A_27 = vector.shape_cast %get3A_26 : vector<16xf32> to vector<16xf32>
        %get3A_28 = arith.index_cast %mul3A_25 : i32 to index
        %get3A_29 = tpu.vector_load %arg8[%get3A_28] {strides = array<i32>} : memref<128xf32, #tpu.memory_space<vmem>>, vector<16xf32>,
        %get3A_30 = vector.shape_cast %get3A_29 : vector<16xf32> to vector<16xf32>
        %mul3A_31 = arith.mulf %get3A_27, %get3A_30 : vector<16xf32>
        %swap3A = arith.index_cast %mul3A_25 : i32 to index
        %swap3A_32 = tpu.vector_load %arg10[%swap3A] {strides = array<i32>} : memref<128xf32, #tpu.memory_space<vmem>>, vector<16xf32>,
        %swap3A_33 = vector.shape_cast %swap3A_32 : vector<16xf32> to vector<16xf32>
        %swap3A_34 = vector.shape_cast %mul3A_31 : vector<16xf32> to vector<16xf32>
        tpu.vector_store %arg10[%swap3A], %swap3A_34 {strides = array<i32>} : memref<128xf32, #tpu.memory_space<vmem>>, vector<16xf32>,
        %scan3A_35 = arith.constant 0 : i32
        scf.yield %scan3A_35 : i32
      }
      %scan3A_17 = arith.constant 8 : i32
      %mul3A_18 = arith.constant 128 : i32
      %mul3A_19 = arith.muli %add3A_2, %mul3A_18 : i32
      "tpu.region"() ({
        %run_scoped3A = tpu.sem_alloc : memref<!tpu.dma_semaphore, #tpu.memory_space<semaphore_mem>>
        %dma_start3A = tpu.memref_slice %arg5[%mul3A_19] : memref<5120xf32, #tpu.memory_space<hbm>> -> memref<128xf32, #tpu.memory_space<hbm>>
        %dma_start3A_22 = tpu.memref_slice %arg5[%mul3A_19] : memref<5120xf32, #tpu.memory_space<hbm>> -> memref<128xf32, #tpu.memory_space<hbm>>
        tpu.enqueue_dma source(%arg8 : memref<128xf32, #tpu.memory_space<vmem>>) target(%dma_start3A_22 : memref<128xf32, #tpu.memory_space<hbm>>) target_semaphore(%run_scoped3A : memref<!tpu.dma_semaphore, #tpu.memory_space<semaphore_mem>>)
        %dma_wait3A = tpu.memref_slice %arg5[%mul3A_19] : memref<5120xf32, #tpu.memory_space<hbm>> -> memref<128xf32, #tpu.memory_space<hbm>>
        %dma_wait3A_23 = tpu.memref_slice %arg5[%mul3A_19] : memref<5120xf32, #tpu.memory_space<hbm>> -> memref<128xf32, #tpu.memory_space<hbm>>
        tpu.wait_dma2 semaphore(%run_scoped3A : memref<!tpu.dma_semaphore, #tpu.memory_space<semaphore_mem>>) src(%arg8 : memref<128xf32, #tpu.memory_space<vmem>>) dst(%dma_wait3A_23 : memref<128xf32, #tpu.memory_space<hbm>>)
        tpu.yield
      }) : () -> ()
      %mul3A_20 = arith.constant 128 : i32
      %mul3A_21 = arith.muli %add3A_2, %mul3A_20 : i32
      "tpu.region"() ({
        %run_scoped3A = tpu.sem_alloc : memref<!tpu.dma_semaphore, #tpu.memory_space<semaphore_mem>>
        %dma_start3A = tpu.memref_slice %arg6[%mul3A_21] : memref<5120xf32, #tpu.memory_space<hbm>> -> memref<128xf32, #tpu.memory_space<hbm>>
        %dma_start3A_22 = tpu.memref_slice %arg6[%mul3A_21] : memref<5120xf32, #tpu.memory_space<hbm>> -> memref<128xf32, #tpu.memory_space<hbm>>
        tpu.enqueue_dma source(%arg10 : memref<128xf32, #tpu.memory_space<vmem>>) target(%dma_start3A_22 : memref<128xf32, #tpu.memory_space<hbm>>) target_semaphore(%run_scoped3A : memref<!tpu.dma_semaphore, #tpu.memory_space<semaphore_mem>>)
        %dma_wait3A = tpu.memref_slice %arg6[%mul3A_21] : memref<5120xf32, #tpu.memory_space<hbm>> -> memref<128xf32, #tpu.memory_space<hbm>>
        %dma_wait3A_23 = tpu.memref_slice %arg6[%mul3A_21] : memref<5120xf32, #tpu.memory_space<hbm>> -> memref<128xf32, #tpu.memory_space<hbm>>
        tpu.wait_dma2 semaphore(%run_scoped3A : memref<!tpu.dma_semaphore, #tpu.memory_space<semaphore_mem>>) src(%arg10 : memref<128xf32, #tpu.memory_space<vmem>>) dst(%dma_wait3A_23 : memref<128xf32, #tpu.memory_space<hbm>>)
        tpu.yield
      }) : () -> ()
    } else {
    }
    %add3A_5 = arith.constant 32 : i32
    %add3A_6 = arith.addi %add3A, %add3A_5 : i32
    %lt3A_7 = arith.constant 40 : i32
    %lt3A_8 = arith.cmpi slt, %add3A_6, %lt3A_7 : i32
    %convert_element_type3A_9 = arith.extui %lt3A_8 : i1 to i32
    %cond3A_10 = arith.constant 0 : i32
    %cond3A_11 = arith.cmpi ne, %convert_element_type3A_9, %cond3A_10 : i32
    scf.if %cond3A_11 {
      "tpu.region"() ({
        %run_scoped3A = tpu.sem_alloc : memref<!tpu.dma_semaphore, #tpu.memory_space<semaphore_mem>>
        %dma_start3A = arith.constant 0 : i32
        %dma_start3A_22 = tpu.memref_slice %arg2[%add3A_6, %dma_start3A] : memref<40x128xi32, #tpu.memory_space<hbm>> -> memref<1x128xi32, #tpu.memory_space<hbm>>
        %dma_start3A_23 = tpu.memref_squeeze %dma_start3A_22 : memref<1x128xi32, #tpu.memory_space<hbm>> -> memref<128xi32, #tpu.memory_space<hbm>>
        %dma_start3A_24 = arith.constant 0 : i32
        %dma_start3A_25 = tpu.memref_slice %arg2[%add3A_6, %dma_start3A_24] : memref<40x128xi32, #tpu.memory_space<hbm>> -> memref<1x128xi32, #tpu.memory_space<hbm>>
        %dma_start3A_26 = tpu.memref_squeeze %dma_start3A_25 : memref<1x128xi32, #tpu.memory_space<hbm>> -> memref<128xi32, #tpu.memory_space<hbm>>
        tpu.enqueue_dma source(%dma_start3A_26 : memref<128xi32, #tpu.memory_space<hbm>>) target(%arg7 : memref<128xi32, #tpu.memory_space<vmem>>) target_semaphore(%run_scoped3A : memref<!tpu.dma_semaphore, #tpu.memory_space<semaphore_mem>>)
        %dma_wait3A = arith.constant 0 : i32
        %dma_wait3A_27 = tpu.memref_slice %arg2[%add3A_6, %dma_wait3A] : memref<40x128xi32, #tpu.memory_space<hbm>> -> memref<1x128xi32, #tpu.memory_space<hbm>>
        %dma_wait3A_28 = tpu.memref_squeeze %dma_wait3A_27 : memref<1x128xi32, #tpu.memory_space<hbm>> -> memref<128xi32, #tpu.memory_space<hbm>>
        %dma_wait3A_29 = arith.constant 0 : i32
        %dma_wait3A_30 = tpu.memref_slice %arg2[%add3A_6, %dma_wait3A_29] : memref<40x128xi32, #tpu.memory_space<hbm>> -> memref<1x128xi32, #tpu.memory_space<hbm>>
        %dma_wait3A_31 = tpu.memref_squeeze %dma_wait3A_30 : memref<1x128xi32, #tpu.memory_space<hbm>> -> memref<128xi32, #tpu.memory_space<hbm>>
        tpu.wait_dma2 semaphore(%run_scoped3A : memref<!tpu.dma_semaphore, #tpu.memory_space<semaphore_mem>>) src(%dma_wait3A_31 : memref<128xi32, #tpu.memory_space<hbm>>) dst(%arg7 : memref<128xi32, #tpu.memory_space<vmem>>)
        tpu.yield
      }) : () -> ()
      "tpu.region"() ({
        %run_scoped3A = tpu.sem_alloc : memref<!tpu.dma_semaphore, #tpu.memory_space<semaphore_mem>>
        %dma_start3A = arith.constant 0 : i32
        %dma_start3A_22 = tpu.memref_slice %arg4[%add3A_6, %dma_start3A] : memref<40x128xf32, #tpu.memory_space<hbm>> -> memref<1x128xf32, #tpu.memory_space<hbm>>
        %dma_start3A_23 = tpu.memref_squeeze %dma_start3A_22 : memref<1x128xf32, #tpu.memory_space<hbm>> -> memref<128xf32, #tpu.memory_space<hbm>>
        %dma_start3A_24 = arith.constant 0 : i32
        %dma_start3A_25 = tpu.memref_slice %arg4[%add3A_6, %dma_start3A_24] : memref<40x128xf32, #tpu.memory_space<hbm>> -> memref<1x128xf32, #tpu.memory_space<hbm>>
        %dma_start3A_26 = tpu.memref_squeeze %dma_start3A_25 : memref<1x128xf32, #tpu.memory_space<hbm>> -> memref<128xf32, #tpu.memory_space<hbm>>
        tpu.enqueue_dma source(%dma_start3A_26 : memref<128xf32, #tpu.memory_space<hbm>>) target(%arg9 : memref<128xf32, #tpu.memory_space<vmem>>) target_semaphore(%run_scoped3A : memref<!tpu.dma_semaphore, #tpu.memory_space<semaphore_mem>>)
        %dma_wait3A = arith.constant 0 : i32
        %dma_wait3A_27 = tpu.memref_slice %arg4[%add3A_6, %dma_wait3A] : memref<40x128xf32, #tpu.memory_space<hbm>> -> memref<1x128xf32, #tpu.memory_space<hbm>>
        %dma_wait3A_28 = tpu.memref_squeeze %dma_wait3A_27 : memref<1x128xf32, #tpu.memory_space<hbm>> -> memref<128xf32, #tpu.memory_space<hbm>>
        %dma_wait3A_29 = arith.constant 0 : i32
        %dma_wait3A_30 = tpu.memref_slice %arg4[%add3A_6, %dma_wait3A_29] : memref<40x128xf32, #tpu.memory_space<hbm>> -> memref<1x128xf32, #tpu.memory_space<hbm>>
        %dma_wait3A_31 = tpu.memref_squeeze %dma_wait3A_30 : memref<1x128xf32, #tpu.memory_space<hbm>> -> memref<128xf32, #tpu.memory_space<hbm>>
        tpu.wait_dma2 semaphore(%run_scoped3A : memref<!tpu.dma_semaphore, #tpu.memory_space<semaphore_mem>>) src(%dma_wait3A_31 : memref<128xf32, #tpu.memory_space<hbm>>) dst(%arg9 : memref<128xf32, #tpu.memory_space<vmem>>)
        tpu.yield
      }) : () -> ()
      "tpu.region"() ({
        %run_scoped3A = tpu.sem_alloc : memref<!tpu.dma_semaphore, #tpu.memory_space<semaphore_mem>>
        %dma_start3A = arith.constant 0 : i32
        %dma_start3A_22 = tpu.memref_slice %arg3[%dma_start3A] : memref<5120xf32, #tpu.memory_space<hbm>> -> memref<5120xf32, #tpu.memory_space<hbm>>
        tpu.enqueue_indirect_dma source(%dma_start3A_22 : memref<5120xf32, #tpu.memory_space<hbm>>) target(%arg8 : memref<128xf32, #tpu.memory_space<vmem>>) offsets(%arg7 : memref<128xi32, #tpu.memory_space<vmem>>) semaphore(%run_scoped3A : memref<!tpu.dma_semaphore, #tpu.memory_space<semaphore_mem>>)
        %dma_wait3A = arith.constant 0 : i32
        %dma_wait3A_23 = tpu.memref_slice %arg3[%dma_wait3A] : memref<5120xf32, #tpu.memory_space<hbm>> -> memref<5120xf32, #tpu.memory_space<hbm>>
        tpu.wait_indirect_dma semaphore(%run_scoped3A : memref<!tpu.dma_semaphore, #tpu.memory_space<semaphore_mem>>) src(%dma_wait3A_23 : memref<5120xf32, #tpu.memory_space<hbm>>) dst(%arg8 : memref<128xf32, #tpu.memory_space<vmem>>)
        tpu.yield
      }) : () -> ()
      %scan3A = arith.constant 0 : i32
      %scan3A_12 = arith.constant 0 : i32
      %scan3A_13 = arith.constant 8 : i32
      %scan3A_14 = arith.addi %scan3A_12, %scan3A_13 : i32
      %scan3A_15 = arith.constant 1 : i32
      %scan3A_16 = scf.for %scan3A_22 = %scan3A_12 to %scan3A_14 step %scan3A_15 iter_args(%scan3A_23 = %scan3A) -> (i32)  : i32 {
        %mul3A_24 = arith.constant 16 : i32
        %mul3A_25 = arith.muli %scan3A_22, %mul3A_24 : i32
        %get3A = arith.index_cast %mul3A_25 : i32 to index
        %get3A_26 = tpu.vector_load %arg9[%get3A] {strides = array<i32>} : memref<128xf32, #tpu.memory_space<vmem>>, vector<16xf32>,
        %get3A_27 = vector.shape_cast %get3A_26 : vector<16xf32> to vector<16xf32>
        %get3A_28 = arith.index_cast %mul3A_25 : i32 to index
        %get3A_29 = tpu.vector_load %arg8[%get3A_28] {strides = array<i32>} : memref<128xf32, #tpu.memory_space<vmem>>, vector<16xf32>,
        %get3A_30 = vector.shape_cast %get3A_29 : vector<16xf32> to vector<16xf32>
        %mul3A_31 = arith.mulf %get3A_27, %get3A_30 : vector<16xf32>
        %swap3A = arith.index_cast %mul3A_25 : i32 to index
        %swap3A_32 = tpu.vector_load %arg10[%swap3A] {strides = array<i32>} : memref<128xf32, #tpu.memory_space<vmem>>, vector<16xf32>,
        %swap3A_33 = vector.shape_cast %swap3A_32 : vector<16xf32> to vector<16xf32>
        %swap3A_34 = vector.shape_cast %mul3A_31 : vector<16xf32> to vector<16xf32>
        tpu.vector_store %arg10[%swap3A], %swap3A_34 {strides = array<i32>} : memref<128xf32, #tpu.memory_space<vmem>>, vector<16xf32>,
        %scan3A_35 = arith.constant 0 : i32
        scf.yield %scan3A_35 : i32
      }
      %scan3A_17 = arith.constant 8 : i32
      %mul3A_18 = arith.constant 128 : i32
      %mul3A_19 = arith.muli %add3A_6, %mul3A_18 : i32
      "tpu.region"() ({
        %run_scoped3A = tpu.sem_alloc : memref<!tpu.dma_semaphore, #tpu.memory_space<semaphore_mem>>
        %dma_start3A = tpu.memref_slice %arg5[%mul3A_19] : memref<5120xf32, #tpu.memory_space<hbm>> -> memref<128xf32, #tpu.memory_space<hbm>>
        %dma_start3A_22 = tpu.memref_slice %arg5[%mul3A_19] : memref<5120xf32, #tpu.memory_space<hbm>> -> memref<128xf32, #tpu.memory_space<hbm>>
        tpu.enqueue_dma source(%arg8 : memref<128xf32, #tpu.memory_space<vmem>>) target(%dma_start3A_22 : memref<128xf32, #tpu.memory_space<hbm>>) target_semaphore(%run_scoped3A : memref<!tpu.dma_semaphore, #tpu.memory_space<semaphore_mem>>)
        %dma_wait3A = tpu.memref_slice %arg5[%mul3A_19] : memref<5120xf32, #tpu.memory_space<hbm>> -> memref<128xf32, #tpu.memory_space<hbm>>
        %dma_wait3A_23 = tpu.memref_slice %arg5[%mul3A_19] : memref<5120xf32, #tpu.memory_space<hbm>> -> memref<128xf32, #tpu.memory_space<hbm>>
        tpu.wait_dma2 semaphore(%run_scoped3A : memref<!tpu.dma_semaphore, #tpu.memory_space<semaphore_mem>>) src(%arg8 : memref<128xf32, #tpu.memory_space<vmem>>) dst(%dma_wait3A_23 : memref<128xf32, #tpu.memory_space<hbm>>)
        tpu.yield
      }) : () -> ()
      %mul3A_20 = arith.constant 128 : i32
      %mul3A_21 = arith.muli %add3A_6, %mul3A_20 : i32
      "tpu.region"() ({
        %run_scoped3A = tpu.sem_alloc : memref<!tpu.dma_semaphore, #tpu.memory_space<semaphore_mem>>
        %dma_start3A = tpu.memref_slice %arg6[%mul3A_21] : memref<5120xf32, #tpu.memory_space<hbm>> -> memref<128xf32, #tpu.memory_space<hbm>>
        %dma_start3A_22 = tpu.memref_slice %arg6[%mul3A_21] : memref<5120xf32, #tpu.memory_space<hbm>> -> memref<128xf32, #tpu.memory_space<hbm>>
        tpu.enqueue_dma source(%arg10 : memref<128xf32, #tpu.memory_space<vmem>>) target(%dma_start3A_22 : memref<128xf32, #tpu.memory_space<hbm>>) target_semaphore(%run_scoped3A : memref<!tpu.dma_semaphore, #tpu.memory_space<semaphore_mem>>)
        %dma_wait3A = tpu.memref_slice %arg6[%mul3A_21] : memref<5120xf32, #tpu.memory_space<hbm>> -> memref<128xf32, #tpu.memory_space<hbm>>
        %dma_wait3A_23 = tpu.memref_slice %arg6[%mul3A_21] : memref<5120xf32, #tpu.memory_space<hbm>> -> memref<128xf32, #tpu.memory_space<hbm>>
        tpu.wait_dma2 semaphore(%run_scoped3A : memref<!tpu.dma_semaphore, #tpu.memory_space<semaphore_mem>>) src(%arg10 : memref<128xf32, #tpu.memory_space<vmem>>) dst(%dma_wait3A_23 : memref<128xf32, #tpu.memory_space<hbm>>)
        tpu.yield
      }) : () -> ()
    } else {
    }
    return
  }
}

#map = affine_map<(d0, d1) -> (0, 0)>
#map1 = affine_map<(d0, d1) -> (0)>
module attributes {stable_mosaic.version = 14 : i64} {
  func.func @_sc_scatter_coords_fn(%arg0: i32, %arg1: i32, %arg2: memref<40x128xi32, #tpu.memory_space<hbm>>, %arg3: memref<40x128xf32, #tpu.memory_space<hbm>>, %arg4: memref<40x128xf32, #tpu.memory_space<hbm>>, %arg5: memref<5120xf32, #tpu.memory_space<hbm>>, %arg6: memref<5120xf32, #tpu.memory_space<hbm>>, %arg7: memref<128xi32, #tpu.memory_space<vmem>>, %arg8: memref<128xf32, #tpu.memory_space<vmem>>, %arg9: memref<128xf32, #tpu.memory_space<vmem>>, %arg10: memref<5120xf32, #tpu.memory_space<vmem_shared>>, %arg11: memref<5120xf32, #tpu.memory_space<vmem_shared>>) attributes {dimension_semantics = [#tpu.dimension_semantics<core_parallel>, #tpu.dimension_semantics<subcore_parallel>], iteration_bounds = array<i64: 2, 16>, scalar_prefetch = 0 : i64, scratch_operands = 5 : i64, tpu.core_type = #tpu.core_type<sc_vector_subcore>, window_params = [{transform_indices = #map}, {transform_indices = #map}, {transform_indices = #map}, {transform_indices = #map1}, {transform_indices = #map1}]} {
    %eq3A = arith.constant 0 : i32
    %eq3A_0 = arith.cmpi eq, %arg0, %eq3A : i32
    %convert_element_type3A = arith.extui %eq3A_0 : i1 to i32
    %cond3A = arith.constant 0 : i32
    %cond3A_1 = arith.cmpi ne, %convert_element_type3A, %cond3A : i32
    scf.if %cond3A_1 {
      %add3A = arith.constant 0 : i32
      %add3A_2 = arith.addi %arg1, %add3A : i32
      %lt3A = arith.constant 40 : i32
      %lt3A_3 = arith.cmpi slt, %add3A_2, %lt3A : i32
      %convert_element_type3A_4 = arith.extui %lt3A_3 : i1 to i32
      %cond3A_5 = arith.constant 0 : i32
      %cond3A_6 = arith.cmpi ne, %convert_element_type3A_4, %cond3A_5 : i32
      scf.if %cond3A_6 {
        "tpu.region"() ({
          %run_scoped3A = tpu.sem_alloc : memref<!tpu.dma_semaphore, #tpu.memory_space<semaphore_mem>>
          %dma_start3A = arith.constant 0 : i32
          %dma_start3A_31 = tpu.memref_slice %arg2[%add3A_2, %dma_start3A] : memref<40x128xi32, #tpu.memory_space<hbm>> -> memref<1x128xi32, #tpu.memory_space<hbm>>
          %dma_start3A_32 = tpu.memref_squeeze %dma_start3A_31 : memref<1x128xi32, #tpu.memory_space<hbm>> -> memref<128xi32, #tpu.memory_space<hbm>>
          %dma_start3A_33 = arith.constant 0 : i32
          %dma_start3A_34 = tpu.memref_slice %arg2[%add3A_2, %dma_start3A_33] : memref<40x128xi32, #tpu.memory_space<hbm>> -> memref<1x128xi32, #tpu.memory_space<hbm>>
          %dma_start3A_35 = tpu.memref_squeeze %dma_start3A_34 : memref<1x128xi32, #tpu.memory_space<hbm>> -> memref<128xi32, #tpu.memory_space<hbm>>
          tpu.enqueue_dma source(%dma_start3A_35 : memref<128xi32, #tpu.memory_space<hbm>>) target(%arg7 : memref<128xi32, #tpu.memory_space<vmem>>) target_semaphore(%run_scoped3A : memref<!tpu.dma_semaphore, #tpu.memory_space<semaphore_mem>>)
          %dma_wait3A = arith.constant 0 : i32
          %dma_wait3A_36 = tpu.memref_slice %arg2[%add3A_2, %dma_wait3A] : memref<40x128xi32, #tpu.memory_space<hbm>> -> memref<1x128xi32, #tpu.memory_space<hbm>>
          %dma_wait3A_37 = tpu.memref_squeeze %dma_wait3A_36 : memref<1x128xi32, #tpu.memory_space<hbm>> -> memref<128xi32, #tpu.memory_space<hbm>>
          %dma_wait3A_38 = arith.constant 0 : i32
          %dma_wait3A_39 = tpu.memref_slice %arg2[%add3A_2, %dma_wait3A_38] : memref<40x128xi32, #tpu.memory_space<hbm>> -> memref<1x128xi32, #tpu.memory_space<hbm>>
          %dma_wait3A_40 = tpu.memref_squeeze %dma_wait3A_39 : memref<1x128xi32, #tpu.memory_space<hbm>> -> memref<128xi32, #tpu.memory_space<hbm>>
          tpu.wait_dma2 semaphore(%run_scoped3A : memref<!tpu.dma_semaphore, #tpu.memory_space<semaphore_mem>>) src(%dma_wait3A_40 : memref<128xi32, #tpu.memory_space<hbm>>) dst(%arg7 : memref<128xi32, #tpu.memory_space<vmem>>)
          tpu.yield
        }) : () -> ()
        "tpu.region"() ({
          %run_scoped3A = tpu.sem_alloc : memref<!tpu.dma_semaphore, #tpu.memory_space<semaphore_mem>>
          %dma_start3A = arith.constant 0 : i32
          %dma_start3A_31 = tpu.memref_slice %arg3[%add3A_2, %dma_start3A] : memref<40x128xf32, #tpu.memory_space<hbm>> -> memref<1x128xf32, #tpu.memory_space<hbm>>
          %dma_start3A_32 = tpu.memref_squeeze %dma_start3A_31 : memref<1x128xf32, #tpu.memory_space<hbm>> -> memref<128xf32, #tpu.memory_space<hbm>>
          %dma_start3A_33 = arith.constant 0 : i32
          %dma_start3A_34 = tpu.memref_slice %arg3[%add3A_2, %dma_start3A_33] : memref<40x128xf32, #tpu.memory_space<hbm>> -> memref<1x128xf32, #tpu.memory_space<hbm>>
          %dma_start3A_35 = tpu.memref_squeeze %dma_start3A_34 : memref<1x128xf32, #tpu.memory_space<hbm>> -> memref<128xf32, #tpu.memory_space<hbm>>
          tpu.enqueue_dma source(%dma_start3A_35 : memref<128xf32, #tpu.memory_space<hbm>>) target(%arg8 : memref<128xf32, #tpu.memory_space<vmem>>) target_semaphore(%run_scoped3A : memref<!tpu.dma_semaphore, #tpu.memory_space<semaphore_mem>>)
          %dma_wait3A = arith.constant 0 : i32
          %dma_wait3A_36 = tpu.memref_slice %arg3[%add3A_2, %dma_wait3A] : memref<40x128xf32, #tpu.memory_space<hbm>> -> memref<1x128xf32, #tpu.memory_space<hbm>>
          %dma_wait3A_37 = tpu.memref_squeeze %dma_wait3A_36 : memref<1x128xf32, #tpu.memory_space<hbm>> -> memref<128xf32, #tpu.memory_space<hbm>>
          %dma_wait3A_38 = arith.constant 0 : i32
          %dma_wait3A_39 = tpu.memref_slice %arg3[%add3A_2, %dma_wait3A_38] : memref<40x128xf32, #tpu.memory_space<hbm>> -> memref<1x128xf32, #tpu.memory_space<hbm>>
          %dma_wait3A_40 = tpu.memref_squeeze %dma_wait3A_39 : memref<1x128xf32, #tpu.memory_space<hbm>> -> memref<128xf32, #tpu.memory_space<hbm>>
          tpu.wait_dma2 semaphore(%run_scoped3A : memref<!tpu.dma_semaphore, #tpu.memory_space<semaphore_mem>>) src(%dma_wait3A_40 : memref<128xf32, #tpu.memory_space<hbm>>) dst(%arg8 : memref<128xf32, #tpu.memory_space<vmem>>)
          tpu.yield
        }) : () -> ()
        "tpu.region"() ({
          %run_scoped3A = tpu.sem_alloc : memref<!tpu.dma_semaphore, #tpu.memory_space<semaphore_mem>>
          %dma_start3A = arith.constant 0 : i32
          %dma_start3A_31 = tpu.memref_slice %arg4[%add3A_2, %dma_start3A] : memref<40x128xf32, #tpu.memory_space<hbm>> -> memref<1x128xf32, #tpu.memory_space<hbm>>
          %dma_start3A_32 = tpu.memref_squeeze %dma_start3A_31 : memref<1x128xf32, #tpu.memory_space<hbm>> -> memref<128xf32, #tpu.memory_space<hbm>>
          %dma_start3A_33 = arith.constant 0 : i32
          %dma_start3A_34 = tpu.memref_slice %arg4[%add3A_2, %dma_start3A_33] : memref<40x128xf32, #tpu.memory_space<hbm>> -> memref<1x128xf32, #tpu.memory_space<hbm>>
          %dma_start3A_35 = tpu.memref_squeeze %dma_start3A_34 : memref<1x128xf32, #tpu.memory_space<hbm>> -> memref<128xf32, #tpu.memory_space<hbm>>
          tpu.enqueue_dma source(%dma_start3A_35 : memref<128xf32, #tpu.memory_space<hbm>>) target(%arg9 : memref<128xf32, #tpu.memory_space<vmem>>) target_semaphore(%run_scoped3A : memref<!tpu.dma_semaphore, #tpu.memory_space<semaphore_mem>>)
          %dma_wait3A = arith.constant 0 : i32
          %dma_wait3A_36 = tpu.memref_slice %arg4[%add3A_2, %dma_wait3A] : memref<40x128xf32, #tpu.memory_space<hbm>> -> memref<1x128xf32, #tpu.memory_space<hbm>>
          %dma_wait3A_37 = tpu.memref_squeeze %dma_wait3A_36 : memref<1x128xf32, #tpu.memory_space<hbm>> -> memref<128xf32, #tpu.memory_space<hbm>>
          %dma_wait3A_38 = arith.constant 0 : i32
          %dma_wait3A_39 = tpu.memref_slice %arg4[%add3A_2, %dma_wait3A_38] : memref<40x128xf32, #tpu.memory_space<hbm>> -> memref<1x128xf32, #tpu.memory_space<hbm>>
          %dma_wait3A_40 = tpu.memref_squeeze %dma_wait3A_39 : memref<1x128xf32, #tpu.memory_space<hbm>> -> memref<128xf32, #tpu.memory_space<hbm>>
          tpu.wait_dma2 semaphore(%run_scoped3A : memref<!tpu.dma_semaphore, #tpu.memory_space<semaphore_mem>>) src(%dma_wait3A_40 : memref<128xf32, #tpu.memory_space<hbm>>) dst(%arg9 : memref<128xf32, #tpu.memory_space<vmem>>)
          tpu.yield
        }) : () -> ()
        "tpu.region"() ({
          %run_scoped3A = tpu.sem_alloc : memref<!tpu.dma_semaphore, #tpu.memory_space<semaphore_mem>>
          %dma_start3A = arith.constant 0 : i32
          %dma_start3A_31 = tpu.memref_slice %arg10[%dma_start3A] : memref<5120xf32, #tpu.memory_space<vmem_shared>> -> memref<5120xf32, #tpu.memory_space<vmem_shared>>
          tpu.enqueue_indirect_dma source(%arg8 : memref<128xf32, #tpu.memory_space<vmem>>) target(%dma_start3A_31 : memref<5120xf32, #tpu.memory_space<vmem_shared>>) offsets(%arg7 : memref<128xi32, #tpu.memory_space<vmem>>) semaphore(%run_scoped3A : memref<!tpu.dma_semaphore, #tpu.memory_space<semaphore_mem>>)
          %dma_wait3A = arith.constant 0 : i32
          %dma_wait3A_32 = tpu.memref_slice %arg10[%dma_wait3A] : memref<5120xf32, #tpu.memory_space<vmem_shared>> -> memref<5120xf32, #tpu.memory_space<vmem_shared>>
          tpu.wait_indirect_dma semaphore(%run_scoped3A : memref<!tpu.dma_semaphore, #tpu.memory_space<semaphore_mem>>) src(%arg8 : memref<128xf32, #tpu.memory_space<vmem>>) dst(%dma_wait3A_32 : memref<5120xf32, #tpu.memory_space<vmem_shared>>)
          tpu.yield
        }) : () -> ()
        "tpu.region"() ({
          %run_scoped3A = tpu.sem_alloc : memref<!tpu.dma_semaphore, #tpu.memory_space<semaphore_mem>>
          %dma_start3A = arith.constant 0 : i32
          %dma_start3A_31 = tpu.memref_slice %arg11[%dma_start3A] : memref<5120xf32, #tpu.memory_space<vmem_shared>> -> memref<5120xf32, #tpu.memory_space<vmem_shared>>
          tpu.enqueue_indirect_dma source(%arg9 : memref<128xf32, #tpu.memory_space<vmem>>) target(%dma_start3A_31 : memref<5120xf32, #tpu.memory_space<vmem_shared>>) offsets(%arg7 : memref<128xi32, #tpu.memory_space<vmem>>) semaphore(%run_scoped3A : memref<!tpu.dma_semaphore, #tpu.memory_space<semaphore_mem>>)
          %dma_wait3A = arith.constant 0 : i32
          %dma_wait3A_32 = tpu.memref_slice %arg11[%dma_wait3A] : memref<5120xf32, #tpu.memory_space<vmem_shared>> -> memref<5120xf32, #tpu.memory_space<vmem_shared>>
          tpu.wait_indirect_dma semaphore(%run_scoped3A : memref<!tpu.dma_semaphore, #tpu.memory_space<semaphore_mem>>) src(%arg9 : memref<128xf32, #tpu.memory_space<vmem>>) dst(%dma_wait3A_32 : memref<5120xf32, #tpu.memory_space<vmem_shared>>)
          tpu.yield
        }) : () -> ()
      } else {
      }
      %add3A_7 = arith.constant 16 : i32
      %add3A_8 = arith.addi %arg1, %add3A_7 : i32
      %lt3A_9 = arith.constant 40 : i32
      %lt3A_10 = arith.cmpi slt, %add3A_8, %lt3A_9 : i32
      %convert_element_type3A_11 = arith.extui %lt3A_10 : i1 to i32
      %cond3A_12 = arith.constant 0 : i32
      %cond3A_13 = arith.cmpi ne, %convert_element_type3A_11, %cond3A_12 : i32
      scf.if %cond3A_13 {
        "tpu.region"() ({
          %run_scoped3A = tpu.sem_alloc : memref<!tpu.dma_semaphore, #tpu.memory_space<semaphore_mem>>
          %dma_start3A = arith.constant 0 : i32
          %dma_start3A_31 = tpu.memref_slice %arg2[%add3A_8, %dma_start3A] : memref<40x128xi32, #tpu.memory_space<hbm>> -> memref<1x128xi32, #tpu.memory_space<hbm>>
          %dma_start3A_32 = tpu.memref_squeeze %dma_start3A_31 : memref<1x128xi32, #tpu.memory_space<hbm>> -> memref<128xi32, #tpu.memory_space<hbm>>
          %dma_start3A_33 = arith.constant 0 : i32
          %dma_start3A_34 = tpu.memref_slice %arg2[%add3A_8, %dma_start3A_33] : memref<40x128xi32, #tpu.memory_space<hbm>> -> memref<1x128xi32, #tpu.memory_space<hbm>>
          %dma_start3A_35 = tpu.memref_squeeze %dma_start3A_34 : memref<1x128xi32, #tpu.memory_space<hbm>> -> memref<128xi32, #tpu.memory_space<hbm>>
          tpu.enqueue_dma source(%dma_start3A_35 : memref<128xi32, #tpu.memory_space<hbm>>) target(%arg7 : memref<128xi32, #tpu.memory_space<vmem>>) target_semaphore(%run_scoped3A : memref<!tpu.dma_semaphore, #tpu.memory_space<semaphore_mem>>)
          %dma_wait3A = arith.constant 0 : i32
          %dma_wait3A_36 = tpu.memref_slice %arg2[%add3A_8, %dma_wait3A] : memref<40x128xi32, #tpu.memory_space<hbm>> -> memref<1x128xi32, #tpu.memory_space<hbm>>
          %dma_wait3A_37 = tpu.memref_squeeze %dma_wait3A_36 : memref<1x128xi32, #tpu.memory_space<hbm>> -> memref<128xi32, #tpu.memory_space<hbm>>
          %dma_wait3A_38 = arith.constant 0 : i32
          %dma_wait3A_39 = tpu.memref_slice %arg2[%add3A_8, %dma_wait3A_38] : memref<40x128xi32, #tpu.memory_space<hbm>> -> memref<1x128xi32, #tpu.memory_space<hbm>>
          %dma_wait3A_40 = tpu.memref_squeeze %dma_wait3A_39 : memref<1x128xi32, #tpu.memory_space<hbm>> -> memref<128xi32, #tpu.memory_space<hbm>>
          tpu.wait_dma2 semaphore(%run_scoped3A : memref<!tpu.dma_semaphore, #tpu.memory_space<semaphore_mem>>) src(%dma_wait3A_40 : memref<128xi32, #tpu.memory_space<hbm>>) dst(%arg7 : memref<128xi32, #tpu.memory_space<vmem>>)
          tpu.yield
        }) : () -> ()
        "tpu.region"() ({
          %run_scoped3A = tpu.sem_alloc : memref<!tpu.dma_semaphore, #tpu.memory_space<semaphore_mem>>
          %dma_start3A = arith.constant 0 : i32
          %dma_start3A_31 = tpu.memref_slice %arg3[%add3A_8, %dma_start3A] : memref<40x128xf32, #tpu.memory_space<hbm>> -> memref<1x128xf32, #tpu.memory_space<hbm>>
          %dma_start3A_32 = tpu.memref_squeeze %dma_start3A_31 : memref<1x128xf32, #tpu.memory_space<hbm>> -> memref<128xf32, #tpu.memory_space<hbm>>
          %dma_start3A_33 = arith.constant 0 : i32
          %dma_start3A_34 = tpu.memref_slice %arg3[%add3A_8, %dma_start3A_33] : memref<40x128xf32, #tpu.memory_space<hbm>> -> memref<1x128xf32, #tpu.memory_space<hbm>>
          %dma_start3A_35 = tpu.memref_squeeze %dma_start3A_34 : memref<1x128xf32, #tpu.memory_space<hbm>> -> memref<128xf32, #tpu.memory_space<hbm>>
          tpu.enqueue_dma source(%dma_start3A_35 : memref<128xf32, #tpu.memory_space<hbm>>) target(%arg8 : memref<128xf32, #tpu.memory_space<vmem>>) target_semaphore(%run_scoped3A : memref<!tpu.dma_semaphore, #tpu.memory_space<semaphore_mem>>)
          %dma_wait3A = arith.constant 0 : i32
          %dma_wait3A_36 = tpu.memref_slice %arg3[%add3A_8, %dma_wait3A] : memref<40x128xf32, #tpu.memory_space<hbm>> -> memref<1x128xf32, #tpu.memory_space<hbm>>
          %dma_wait3A_37 = tpu.memref_squeeze %dma_wait3A_36 : memref<1x128xf32, #tpu.memory_space<hbm>> -> memref<128xf32, #tpu.memory_space<hbm>>
          %dma_wait3A_38 = arith.constant 0 : i32
          %dma_wait3A_39 = tpu.memref_slice %arg3[%add3A_8, %dma_wait3A_38] : memref<40x128xf32, #tpu.memory_space<hbm>> -> memref<1x128xf32, #tpu.memory_space<hbm>>
          %dma_wait3A_40 = tpu.memref_squeeze %dma_wait3A_39 : memref<1x128xf32, #tpu.memory_space<hbm>> -> memref<128xf32, #tpu.memory_space<hbm>>
          tpu.wait_dma2 semaphore(%run_scoped3A : memref<!tpu.dma_semaphore, #tpu.memory_space<semaphore_mem>>) src(%dma_wait3A_40 : memref<128xf32, #tpu.memory_space<hbm>>) dst(%arg8 : memref<128xf32, #tpu.memory_space<vmem>>)
          tpu.yield
        }) : () -> ()
        "tpu.region"() ({
          %run_scoped3A = tpu.sem_alloc : memref<!tpu.dma_semaphore, #tpu.memory_space<semaphore_mem>>
          %dma_start3A = arith.constant 0 : i32
          %dma_start3A_31 = tpu.memref_slice %arg4[%add3A_8, %dma_start3A] : memref<40x128xf32, #tpu.memory_space<hbm>> -> memref<1x128xf32, #tpu.memory_space<hbm>>
          %dma_start3A_32 = tpu.memref_squeeze %dma_start3A_31 : memref<1x128xf32, #tpu.memory_space<hbm>> -> memref<128xf32, #tpu.memory_space<hbm>>
          %dma_start3A_33 = arith.constant 0 : i32
          %dma_start3A_34 = tpu.memref_slice %arg4[%add3A_8, %dma_start3A_33] : memref<40x128xf32, #tpu.memory_space<hbm>> -> memref<1x128xf32, #tpu.memory_space<hbm>>
          %dma_start3A_35 = tpu.memref_squeeze %dma_start3A_34 : memref<1x128xf32, #tpu.memory_space<hbm>> -> memref<128xf32, #tpu.memory_space<hbm>>
          tpu.enqueue_dma source(%dma_start3A_35 : memref<128xf32, #tpu.memory_space<hbm>>) target(%arg9 : memref<128xf32, #tpu.memory_space<vmem>>) target_semaphore(%run_scoped3A : memref<!tpu.dma_semaphore, #tpu.memory_space<semaphore_mem>>)
          %dma_wait3A = arith.constant 0 : i32
          %dma_wait3A_36 = tpu.memref_slice %arg4[%add3A_8, %dma_wait3A] : memref<40x128xf32, #tpu.memory_space<hbm>> -> memref<1x128xf32, #tpu.memory_space<hbm>>
          %dma_wait3A_37 = tpu.memref_squeeze %dma_wait3A_36 : memref<1x128xf32, #tpu.memory_space<hbm>> -> memref<128xf32, #tpu.memory_space<hbm>>
          %dma_wait3A_38 = arith.constant 0 : i32
          %dma_wait3A_39 = tpu.memref_slice %arg4[%add3A_8, %dma_wait3A_38] : memref<40x128xf32, #tpu.memory_space<hbm>> -> memref<1x128xf32, #tpu.memory_space<hbm>>
          %dma_wait3A_40 = tpu.memref_squeeze %dma_wait3A_39 : memref<1x128xf32, #tpu.memory_space<hbm>> -> memref<128xf32, #tpu.memory_space<hbm>>
          tpu.wait_dma2 semaphore(%run_scoped3A : memref<!tpu.dma_semaphore, #tpu.memory_space<semaphore_mem>>) src(%dma_wait3A_40 : memref<128xf32, #tpu.memory_space<hbm>>) dst(%arg9 : memref<128xf32, #tpu.memory_space<vmem>>)
          tpu.yield
        }) : () -> ()
        "tpu.region"() ({
          %run_scoped3A = tpu.sem_alloc : memref<!tpu.dma_semaphore, #tpu.memory_space<semaphore_mem>>
          %dma_start3A = arith.constant 0 : i32
          %dma_start3A_31 = tpu.memref_slice %arg10[%dma_start3A] : memref<5120xf32, #tpu.memory_space<vmem_shared>> -> memref<5120xf32, #tpu.memory_space<vmem_shared>>
          tpu.enqueue_indirect_dma source(%arg8 : memref<128xf32, #tpu.memory_space<vmem>>) target(%dma_start3A_31 : memref<5120xf32, #tpu.memory_space<vmem_shared>>) offsets(%arg7 : memref<128xi32, #tpu.memory_space<vmem>>) semaphore(%run_scoped3A : memref<!tpu.dma_semaphore, #tpu.memory_space<semaphore_mem>>)
          %dma_wait3A = arith.constant 0 : i32
          %dma_wait3A_32 = tpu.memref_slice %arg10[%dma_wait3A] : memref<5120xf32, #tpu.memory_space<vmem_shared>> -> memref<5120xf32, #tpu.memory_space<vmem_shared>>
          tpu.wait_indirect_dma semaphore(%run_scoped3A : memref<!tpu.dma_semaphore, #tpu.memory_space<semaphore_mem>>) src(%arg8 : memref<128xf32, #tpu.memory_space<vmem>>) dst(%dma_wait3A_32 : memref<5120xf32, #tpu.memory_space<vmem_shared>>)
          tpu.yield
        }) : () -> ()
        "tpu.region"() ({
          %run_scoped3A = tpu.sem_alloc : memref<!tpu.dma_semaphore, #tpu.memory_space<semaphore_mem>>
          %dma_start3A = arith.constant 0 : i32
          %dma_start3A_31 = tpu.memref_slice %arg11[%dma_start3A] : memref<5120xf32, #tpu.memory_space<vmem_shared>> -> memref<5120xf32, #tpu.memory_space<vmem_shared>>
          tpu.enqueue_indirect_dma source(%arg9 : memref<128xf32, #tpu.memory_space<vmem>>) target(%dma_start3A_31 : memref<5120xf32, #tpu.memory_space<vmem_shared>>) offsets(%arg7 : memref<128xi32, #tpu.memory_space<vmem>>) semaphore(%run_scoped3A : memref<!tpu.dma_semaphore, #tpu.memory_space<semaphore_mem>>)
          %dma_wait3A = arith.constant 0 : i32
          %dma_wait3A_32 = tpu.memref_slice %arg11[%dma_wait3A] : memref<5120xf32, #tpu.memory_space<vmem_shared>> -> memref<5120xf32, #tpu.memory_space<vmem_shared>>
          tpu.wait_indirect_dma semaphore(%run_scoped3A : memref<!tpu.dma_semaphore, #tpu.memory_space<semaphore_mem>>) src(%arg9 : memref<128xf32, #tpu.memory_space<vmem>>) dst(%dma_wait3A_32 : memref<5120xf32, #tpu.memory_space<vmem_shared>>)
          tpu.yield
        }) : () -> ()
      } else {
      }
      %add3A_14 = arith.constant 32 : i32
      %add3A_15 = arith.addi %arg1, %add3A_14 : i32
      %lt3A_16 = arith.constant 40 : i32
      %lt3A_17 = arith.cmpi slt, %add3A_15, %lt3A_16 : i32
      %convert_element_type3A_18 = arith.extui %lt3A_17 : i1 to i32
      %cond3A_19 = arith.constant 0 : i32
      %cond3A_20 = arith.cmpi ne, %convert_element_type3A_18, %cond3A_19 : i32
      scf.if %cond3A_20 {
        "tpu.region"() ({
          %run_scoped3A = tpu.sem_alloc : memref<!tpu.dma_semaphore, #tpu.memory_space<semaphore_mem>>
          %dma_start3A = arith.constant 0 : i32
          %dma_start3A_31 = tpu.memref_slice %arg2[%add3A_15, %dma_start3A] : memref<40x128xi32, #tpu.memory_space<hbm>> -> memref<1x128xi32, #tpu.memory_space<hbm>>
          %dma_start3A_32 = tpu.memref_squeeze %dma_start3A_31 : memref<1x128xi32, #tpu.memory_space<hbm>> -> memref<128xi32, #tpu.memory_space<hbm>>
          %dma_start3A_33 = arith.constant 0 : i32
          %dma_start3A_34 = tpu.memref_slice %arg2[%add3A_15, %dma_start3A_33] : memref<40x128xi32, #tpu.memory_space<hbm>> -> memref<1x128xi32, #tpu.memory_space<hbm>>
          %dma_start3A_35 = tpu.memref_squeeze %dma_start3A_34 : memref<1x128xi32, #tpu.memory_space<hbm>> -> memref<128xi32, #tpu.memory_space<hbm>>
          tpu.enqueue_dma source(%dma_start3A_35 : memref<128xi32, #tpu.memory_space<hbm>>) target(%arg7 : memref<128xi32, #tpu.memory_space<vmem>>) target_semaphore(%run_scoped3A : memref<!tpu.dma_semaphore, #tpu.memory_space<semaphore_mem>>)
          %dma_wait3A = arith.constant 0 : i32
          %dma_wait3A_36 = tpu.memref_slice %arg2[%add3A_15, %dma_wait3A] : memref<40x128xi32, #tpu.memory_space<hbm>> -> memref<1x128xi32, #tpu.memory_space<hbm>>
          %dma_wait3A_37 = tpu.memref_squeeze %dma_wait3A_36 : memref<1x128xi32, #tpu.memory_space<hbm>> -> memref<128xi32, #tpu.memory_space<hbm>>
          %dma_wait3A_38 = arith.constant 0 : i32
          %dma_wait3A_39 = tpu.memref_slice %arg2[%add3A_15, %dma_wait3A_38] : memref<40x128xi32, #tpu.memory_space<hbm>> -> memref<1x128xi32, #tpu.memory_space<hbm>>
          %dma_wait3A_40 = tpu.memref_squeeze %dma_wait3A_39 : memref<1x128xi32, #tpu.memory_space<hbm>> -> memref<128xi32, #tpu.memory_space<hbm>>
          tpu.wait_dma2 semaphore(%run_scoped3A : memref<!tpu.dma_semaphore, #tpu.memory_space<semaphore_mem>>) src(%dma_wait3A_40 : memref<128xi32, #tpu.memory_space<hbm>>) dst(%arg7 : memref<128xi32, #tpu.memory_space<vmem>>)
          tpu.yield
        }) : () -> ()
        "tpu.region"() ({
          %run_scoped3A = tpu.sem_alloc : memref<!tpu.dma_semaphore, #tpu.memory_space<semaphore_mem>>
          %dma_start3A = arith.constant 0 : i32
          %dma_start3A_31 = tpu.memref_slice %arg3[%add3A_15, %dma_start3A] : memref<40x128xf32, #tpu.memory_space<hbm>> -> memref<1x128xf32, #tpu.memory_space<hbm>>
          %dma_start3A_32 = tpu.memref_squeeze %dma_start3A_31 : memref<1x128xf32, #tpu.memory_space<hbm>> -> memref<128xf32, #tpu.memory_space<hbm>>
          %dma_start3A_33 = arith.constant 0 : i32
          %dma_start3A_34 = tpu.memref_slice %arg3[%add3A_15, %dma_start3A_33] : memref<40x128xf32, #tpu.memory_space<hbm>> -> memref<1x128xf32, #tpu.memory_space<hbm>>
          %dma_start3A_35 = tpu.memref_squeeze %dma_start3A_34 : memref<1x128xf32, #tpu.memory_space<hbm>> -> memref<128xf32, #tpu.memory_space<hbm>>
          tpu.enqueue_dma source(%dma_start3A_35 : memref<128xf32, #tpu.memory_space<hbm>>) target(%arg8 : memref<128xf32, #tpu.memory_space<vmem>>) target_semaphore(%run_scoped3A : memref<!tpu.dma_semaphore, #tpu.memory_space<semaphore_mem>>)
          %dma_wait3A = arith.constant 0 : i32
          %dma_wait3A_36 = tpu.memref_slice %arg3[%add3A_15, %dma_wait3A] : memref<40x128xf32, #tpu.memory_space<hbm>> -> memref<1x128xf32, #tpu.memory_space<hbm>>
          %dma_wait3A_37 = tpu.memref_squeeze %dma_wait3A_36 : memref<1x128xf32, #tpu.memory_space<hbm>> -> memref<128xf32, #tpu.memory_space<hbm>>
          %dma_wait3A_38 = arith.constant 0 : i32
          %dma_wait3A_39 = tpu.memref_slice %arg3[%add3A_15, %dma_wait3A_38] : memref<40x128xf32, #tpu.memory_space<hbm>> -> memref<1x128xf32, #tpu.memory_space<hbm>>
          %dma_wait3A_40 = tpu.memref_squeeze %dma_wait3A_39 : memref<1x128xf32, #tpu.memory_space<hbm>> -> memref<128xf32, #tpu.memory_space<hbm>>
          tpu.wait_dma2 semaphore(%run_scoped3A : memref<!tpu.dma_semaphore, #tpu.memory_space<semaphore_mem>>) src(%dma_wait3A_40 : memref<128xf32, #tpu.memory_space<hbm>>) dst(%arg8 : memref<128xf32, #tpu.memory_space<vmem>>)
          tpu.yield
        }) : () -> ()
        "tpu.region"() ({
          %run_scoped3A = tpu.sem_alloc : memref<!tpu.dma_semaphore, #tpu.memory_space<semaphore_mem>>
          %dma_start3A = arith.constant 0 : i32
          %dma_start3A_31 = tpu.memref_slice %arg4[%add3A_15, %dma_start3A] : memref<40x128xf32, #tpu.memory_space<hbm>> -> memref<1x128xf32, #tpu.memory_space<hbm>>
          %dma_start3A_32 = tpu.memref_squeeze %dma_start3A_31 : memref<1x128xf32, #tpu.memory_space<hbm>> -> memref<128xf32, #tpu.memory_space<hbm>>
          %dma_start3A_33 = arith.constant 0 : i32
          %dma_start3A_34 = tpu.memref_slice %arg4[%add3A_15, %dma_start3A_33] : memref<40x128xf32, #tpu.memory_space<hbm>> -> memref<1x128xf32, #tpu.memory_space<hbm>>
          %dma_start3A_35 = tpu.memref_squeeze %dma_start3A_34 : memref<1x128xf32, #tpu.memory_space<hbm>> -> memref<128xf32, #tpu.memory_space<hbm>>
          tpu.enqueue_dma source(%dma_start3A_35 : memref<128xf32, #tpu.memory_space<hbm>>) target(%arg9 : memref<128xf32, #tpu.memory_space<vmem>>) target_semaphore(%run_scoped3A : memref<!tpu.dma_semaphore, #tpu.memory_space<semaphore_mem>>)
          %dma_wait3A = arith.constant 0 : i32
          %dma_wait3A_36 = tpu.memref_slice %arg4[%add3A_15, %dma_wait3A] : memref<40x128xf32, #tpu.memory_space<hbm>> -> memref<1x128xf32, #tpu.memory_space<hbm>>
          %dma_wait3A_37 = tpu.memref_squeeze %dma_wait3A_36 : memref<1x128xf32, #tpu.memory_space<hbm>> -> memref<128xf32, #tpu.memory_space<hbm>>
          %dma_wait3A_38 = arith.constant 0 : i32
          %dma_wait3A_39 = tpu.memref_slice %arg4[%add3A_15, %dma_wait3A_38] : memref<40x128xf32, #tpu.memory_space<hbm>> -> memref<1x128xf32, #tpu.memory_space<hbm>>
          %dma_wait3A_40 = tpu.memref_squeeze %dma_wait3A_39 : memref<1x128xf32, #tpu.memory_space<hbm>> -> memref<128xf32, #tpu.memory_space<hbm>>
          tpu.wait_dma2 semaphore(%run_scoped3A : memref<!tpu.dma_semaphore, #tpu.memory_space<semaphore_mem>>) src(%dma_wait3A_40 : memref<128xf32, #tpu.memory_space<hbm>>) dst(%arg9 : memref<128xf32, #tpu.memory_space<vmem>>)
          tpu.yield
        }) : () -> ()
        "tpu.region"() ({
          %run_scoped3A = tpu.sem_alloc : memref<!tpu.dma_semaphore, #tpu.memory_space<semaphore_mem>>
          %dma_start3A = arith.constant 0 : i32
          %dma_start3A_31 = tpu.memref_slice %arg10[%dma_start3A] : memref<5120xf32, #tpu.memory_space<vmem_shared>> -> memref<5120xf32, #tpu.memory_space<vmem_shared>>
          tpu.enqueue_indirect_dma source(%arg8 : memref<128xf32, #tpu.memory_space<vmem>>) target(%dma_start3A_31 : memref<5120xf32, #tpu.memory_space<vmem_shared>>) offsets(%arg7 : memref<128xi32, #tpu.memory_space<vmem>>) semaphore(%run_scoped3A : memref<!tpu.dma_semaphore, #tpu.memory_space<semaphore_mem>>)
          %dma_wait3A = arith.constant 0 : i32
          %dma_wait3A_32 = tpu.memref_slice %arg10[%dma_wait3A] : memref<5120xf32, #tpu.memory_space<vmem_shared>> -> memref<5120xf32, #tpu.memory_space<vmem_shared>>
          tpu.wait_indirect_dma semaphore(%run_scoped3A : memref<!tpu.dma_semaphore, #tpu.memory_space<semaphore_mem>>) src(%arg8 : memref<128xf32, #tpu.memory_space<vmem>>) dst(%dma_wait3A_32 : memref<5120xf32, #tpu.memory_space<vmem_shared>>)
          tpu.yield
        }) : () -> ()
        "tpu.region"() ({
          %run_scoped3A = tpu.sem_alloc : memref<!tpu.dma_semaphore, #tpu.memory_space<semaphore_mem>>
          %dma_start3A = arith.constant 0 : i32
          %dma_start3A_31 = tpu.memref_slice %arg11[%dma_start3A] : memref<5120xf32, #tpu.memory_space<vmem_shared>> -> memref<5120xf32, #tpu.memory_space<vmem_shared>>
          tpu.enqueue_indirect_dma source(%arg9 : memref<128xf32, #tpu.memory_space<vmem>>) target(%dma_start3A_31 : memref<5120xf32, #tpu.memory_space<vmem_shared>>) offsets(%arg7 : memref<128xi32, #tpu.memory_space<vmem>>) semaphore(%run_scoped3A : memref<!tpu.dma_semaphore, #tpu.memory_space<semaphore_mem>>)
          %dma_wait3A = arith.constant 0 : i32
          %dma_wait3A_32 = tpu.memref_slice %arg11[%dma_wait3A] : memref<5120xf32, #tpu.memory_space<vmem_shared>> -> memref<5120xf32, #tpu.memory_space<vmem_shared>>
          tpu.wait_indirect_dma semaphore(%run_scoped3A : memref<!tpu.dma_semaphore, #tpu.memory_space<semaphore_mem>>) src(%arg9 : memref<128xf32, #tpu.memory_space<vmem>>) dst(%dma_wait3A_32 : memref<5120xf32, #tpu.memory_space<vmem_shared>>)
          tpu.yield
        }) : () -> ()
      } else {
      }
      %barrier3A = arith.constant 0 : index
      tpu.barrier barrier_id(%barrier3A)
      %eq3A_21 = arith.constant 0 : i32
      %eq3A_22 = arith.cmpi eq, %arg1, %eq3A_21 : i32
      %convert_element_type3A_23 = arith.extui %eq3A_22 : i1 to i32
      %cond3A_24 = arith.constant 0 : i32
      %cond3A_25 = arith.cmpi ne, %convert_element_type3A_23, %cond3A_24 : i32
      scf.if %cond3A_25 {
        "tpu.region"() ({
          %run_scoped3A = tpu.sem_alloc : memref<!tpu.dma_semaphore, #tpu.memory_space<semaphore_mem>>
          tpu.enqueue_dma source(%arg10 : memref<5120xf32, #tpu.memory_space<vmem_shared>>) target(%arg5 : memref<5120xf32, #tpu.memory_space<hbm>>) target_semaphore(%run_scoped3A : memref<!tpu.dma_semaphore, #tpu.memory_space<semaphore_mem>>)
          tpu.wait_dma2 semaphore(%run_scoped3A : memref<!tpu.dma_semaphore, #tpu.memory_space<semaphore_mem>>) src(%arg10 : memref<5120xf32, #tpu.memory_space<vmem_shared>>) dst(%arg5 : memref<5120xf32, #tpu.memory_space<hbm>>)
          tpu.yield
        }) : () -> ()
      } else {
      }
      %eq3A_26 = arith.constant 1 : i32
      %eq3A_27 = arith.cmpi eq, %arg1, %eq3A_26 : i32
      %convert_element_type3A_28 = arith.extui %eq3A_27 : i1 to i32
      %cond3A_29 = arith.constant 0 : i32
      %cond3A_30 = arith.cmpi ne, %convert_element_type3A_28, %cond3A_29 : i32
      scf.if %cond3A_30 {
        "tpu.region"() ({
          %run_scoped3A = tpu.sem_alloc : memref<!tpu.dma_semaphore, #tpu.memory_space<semaphore_mem>>
          tpu.enqueue_dma source(%arg11 : memref<5120xf32, #tpu.memory_space<vmem_shared>>) target(%arg6 : memref<5120xf32, #tpu.memory_space<hbm>>) target_semaphore(%run_scoped3A : memref<!tpu.dma_semaphore, #tpu.memory_space<semaphore_mem>>)
          tpu.wait_dma2 semaphore(%run_scoped3A : memref<!tpu.dma_semaphore, #tpu.memory_space<semaphore_mem>>) src(%arg11 : memref<5120xf32, #tpu.memory_space<vmem_shared>>) dst(%arg6 : memref<5120xf32, #tpu.memory_space<hbm>>)
          tpu.yield
        }) : () -> ()
      } else {
      }
    } else {
    }
    return
  }
}

module attributes {stable_mosaic.version = 14 : i64} {
  func.func @_rank_kernel(%arg0: memref<1x5120xf32, #tpu.memory_space<vmem>>, %arg1: memref<1x5120xi32, #tpu.memory_space<vmem>>) attributes {dimension_semantics = [], scalar_prefetch = 0 : i64, scratch_operands = 0 : i64, tpu.core_type = #tpu.core_type<tc>} {
    %broadcast_in_dim3A = arith.constant 0 : i32
    %broadcast_in_dim3A_0 = vector.broadcast %broadcast_in_dim3A : i32 to vector<1x5120xi32>
    %swap3A = arith.constant 0 : index
    %swap3A_1 = arith.constant 0 : index
    %swap3A_2 = vector.load %arg1[%swap3A, %swap3A_1] : memref<1x5120xi32, #tpu.memory_space<vmem>>, vector<1x5120xi32>
    tpu.vector_store %arg1[%swap3A, %swap3A_1], %broadcast_in_dim3A_0 {strides = array<i32>} : memref<1x5120xi32, #tpu.memory_space<vmem>>, vector<1x5120xi32>,
    %iota3A = tpu.iota {dimensions = array<i32: 0>} : vector<256x256xi32>
    %iota3A_3 = tpu.iota {dimensions = array<i32: 1>} : vector<256x256xi32>
    %eq3A = arith.cmpi eq, %iota3A, %iota3A_3 : vector<256x256xi32>
    %sub3A = arith.subi %iota3A, %iota3A_3 : vector<256x256xi32>
    %scan3A = arith.constant 0 : i32
    %scan3A_4 = arith.constant 20 : i32
    %scan3A_5 = arith.addi %scan3A, %scan3A_4 : i32
    %scan3A_6 = arith.constant 1 : i32
    scf.for %scan3A_8 = %scan3A to %scan3A_5 step %scan3A_6  : i32 {
      %mul3A = arith.constant 256 : i32
      %mul3A_9 = arith.muli %scan3A_8, %mul3A : i32
      %get3A = arith.constant 0 : index
      %get3A_10 = arith.index_cast %mul3A_9 : i32 to index
      %get3A_11 = vector.load %arg0[%get3A, %get3A_10] : memref<1x5120xf32, #tpu.memory_space<vmem>>, vector<1x256xf32>
      %jit3A = arith.constant 0.000000e+00 : f32
      %broadcast_in_dim3A_12 = vector.shape_cast %get3A_11 : vector<1x256xf32> to vector<1x256xf32>
      %broadcast_in_dim3A_13 = vector.broadcast %broadcast_in_dim3A_12 : vector<1x256xf32> to vector<256x256xf32>
      %broadcast_in_dim3A_14 = vector.broadcast %jit3A : f32 to vector<256x256xf32>
      %select_n3A = arith.select %eq3A, %broadcast_in_dim3A_13, %broadcast_in_dim3A_14 : vector<256x256xi1>, vector<256x256xf32>
      %reduce_sum3A = arith.constant dense<0.000000e+00> : vector<256xf32>
      %reduce_sum3A_15 = vector.multi_reduction <add>, %select_n3A, %reduce_sum3A [1] : vector<256x256xf32> to vector<256xf32>
      %broadcast_in_dim3A_16 = vector.shape_cast %reduce_sum3A_15 : vector<256xf32> to vector<256x1xf32>
      %scan3A_17 = arith.constant 0 : i32
      %scan3A_18 = arith.constant 5 : i32
      %scan3A_19 = arith.addi %scan3A_17, %scan3A_18 : i32
      %scan3A_20 = arith.constant 1 : i32
      scf.for %scan3A_22 = %scan3A_17 to %scan3A_19 step %scan3A_20  : i32 {
        %mul3A_23 = arith.constant 4 : i32
        %mul3A_24 = arith.muli %mul3A_23, %scan3A_22 : i32
        %add3A = arith.constant 0 : i32
        %add3A_25 = arith.addi %mul3A_24, %add3A : i32
        %mul3A_26 = arith.constant 256 : i32
        %mul3A_27 = arith.muli %add3A_25, %mul3A_26 : i32
        %get3A_28 = arith.constant 0 : index
        %get3A_29 = arith.index_cast %mul3A_27 : i32 to index
        %get3A_30 = vector.load %arg0[%get3A_28, %get3A_29] : memref<1x5120xf32, #tpu.memory_space<vmem>>, vector<1x256xf32>
        %gt3A = vector.broadcast %broadcast_in_dim3A_16 : vector<256x1xf32> to vector<256x256xf32>
        %gt3A_31 = vector.broadcast %get3A_30 : vector<1x256xf32> to vector<256x256xf32>
        %gt3A_32 = arith.cmpf ogt, %gt3A, %gt3A_31 : vector<256x256xf32>
        %eq3A_33 = vector.broadcast %broadcast_in_dim3A_16 : vector<256x1xf32> to vector<256x256xf32>
        %eq3A_34 = vector.broadcast %get3A_30 : vector<1x256xf32> to vector<256x256xf32>
        %eq3A_35 = arith.cmpf oeq, %eq3A_33, %eq3A_34 : vector<256x256xf32>
        %sub3A_36 = arith.subi %add3A_25, %scan3A_8 : i32
        %mul3A_37 = arith.constant 256 : i32
        %mul3A_38 = arith.muli %sub3A_36, %mul3A_37 : i32
        %lt3A = vector.broadcast %mul3A_38 : i32 to vector<256x256xi32>
        %lt3A_39 = arith.cmpi slt, %sub3A, %lt3A : vector<256x256xi32>
        %and3A = arith.andi %eq3A_35, %lt3A_39 : vector<256x256xi1>
        %or3A = arith.ori %gt3A_32, %and3A : vector<256x256xi1>
        %jit3A_40 = arith.constant 1 : i32
        %jit3A_41 = arith.constant 0 : i32
        %broadcast_in_dim3A_42 = vector.broadcast %jit3A_40 : i32 to vector<256x256xi32>
        %broadcast_in_dim3A_43 = vector.broadcast %jit3A_41 : i32 to vector<256x256xi32>
        %select_n3A_44 = arith.select %or3A, %broadcast_in_dim3A_42, %broadcast_in_dim3A_43 : vector<256x256xi1>, vector<256x256xi32>
        %reduce_sum3A_45 = arith.constant dense<0> : vector<256xi32>
        %reduce_sum3A_46 = vector.multi_reduction <add>, %select_n3A_44, %reduce_sum3A_45 [0] : vector<256x256xi32> to vector<256xi32>
        %broadcast_in_dim3A_47 = vector.shape_cast %reduce_sum3A_46 : vector<256xi32> to vector<1x256xi32>
        %mul3A_48 = arith.constant 4 : i32
        %mul3A_49 = arith.muli %mul3A_48, %scan3A_22 : i32
        %add3A_50 = arith.constant 1 : i32
        %add3A_51 = arith.addi %mul3A_49, %add3A_50 : i32
        %mul3A_52 = arith.constant 256 : i32
        %mul3A_53 = arith.muli %add3A_51, %mul3A_52 : i32
        %get3A_54 = arith.constant 0 : index
        %get3A_55 = arith.index_cast %mul3A_53 : i32 to index
        %get3A_56 = vector.load %arg0[%get3A_54, %get3A_55] : memref<1x5120xf32, #tpu.memory_space<vmem>>, vector<1x256xf32>
        %gt3A_57 = vector.broadcast %broadcast_in_dim3A_16 : vector<256x1xf32> to vector<256x256xf32>
        %gt3A_58 = vector.broadcast %get3A_56 : vector<1x256xf32> to vector<256x256xf32>
        %gt3A_59 = arith.cmpf ogt, %gt3A_57, %gt3A_58 : vector<256x256xf32>
        %eq3A_60 = vector.broadcast %broadcast_in_dim3A_16 : vector<256x1xf32> to vector<256x256xf32>
        %eq3A_61 = vector.broadcast %get3A_56 : vector<1x256xf32> to vector<256x256xf32>
        %eq3A_62 = arith.cmpf oeq, %eq3A_60, %eq3A_61 : vector<256x256xf32>
        %sub3A_63 = arith.subi %add3A_51, %scan3A_8 : i32
        %mul3A_64 = arith.constant 256 : i32
        %mul3A_65 = arith.muli %sub3A_63, %mul3A_64 : i32
        %lt3A_66 = vector.broadcast %mul3A_65 : i32 to vector<256x256xi32>
        %lt3A_67 = arith.cmpi slt, %sub3A, %lt3A_66 : vector<256x256xi32>
        %and3A_68 = arith.andi %eq3A_62, %lt3A_67 : vector<256x256xi1>
        %or3A_69 = arith.ori %gt3A_59, %and3A_68 : vector<256x256xi1>
        %jit3A_70 = arith.constant 1 : i32
        %jit3A_71 = arith.constant 0 : i32
        %broadcast_in_dim3A_72 = vector.broadcast %jit3A_70 : i32 to vector<256x256xi32>
        %broadcast_in_dim3A_73 = vector.broadcast %jit3A_71 : i32 to vector<256x256xi32>
        %select_n3A_74 = arith.select %or3A_69, %broadcast_in_dim3A_72, %broadcast_in_dim3A_73 : vector<256x256xi1>, vector<256x256xi32>
        %reduce_sum3A_75 = arith.constant dense<0> : vector<256xi32>
        %reduce_sum3A_76 = vector.multi_reduction <add>, %select_n3A_74, %reduce_sum3A_75 [0] : vector<256x256xi32> to vector<256xi32>
        %broadcast_in_dim3A_77 = vector.shape_cast %reduce_sum3A_76 : vector<256xi32> to vector<1x256xi32>
        %mul3A_78 = arith.constant 4 : i32
        %mul3A_79 = arith.muli %mul3A_78, %scan3A_22 : i32
        %add3A_80 = arith.constant 2 : i32
        %add3A_81 = arith.addi %mul3A_79, %add3A_80 : i32
        %mul3A_82 = arith.constant 256 : i32
        %mul3A_83 = arith.muli %add3A_81, %mul3A_82 : i32
        %get3A_84 = arith.constant 0 : index
        %get3A_85 = arith.index_cast %mul3A_83 : i32 to index
        %get3A_86 = vector.load %arg0[%get3A_84, %get3A_85] : memref<1x5120xf32, #tpu.memory_space<vmem>>, vector<1x256xf32>
        %gt3A_87 = vector.broadcast %broadcast_in_dim3A_16 : vector<256x1xf32> to vector<256x256xf32>
        %gt3A_88 = vector.broadcast %get3A_86 : vector<1x256xf32> to vector<256x256xf32>
        %gt3A_89 = arith.cmpf ogt, %gt3A_87, %gt3A_88 : vector<256x256xf32>
        %eq3A_90 = vector.broadcast %broadcast_in_dim3A_16 : vector<256x1xf32> to vector<256x256xf32>
        %eq3A_91 = vector.broadcast %get3A_86 : vector<1x256xf32> to vector<256x256xf32>
        %eq3A_92 = arith.cmpf oeq, %eq3A_90, %eq3A_91 : vector<256x256xf32>
        %sub3A_93 = arith.subi %add3A_81, %scan3A_8 : i32
        %mul3A_94 = arith.constant 256 : i32
        %mul3A_95 = arith.muli %sub3A_93, %mul3A_94 : i32
        %lt3A_96 = vector.broadcast %mul3A_95 : i32 to vector<256x256xi32>
        %lt3A_97 = arith.cmpi slt, %sub3A, %lt3A_96 : vector<256x256xi32>
        %and3A_98 = arith.andi %eq3A_92, %lt3A_97 : vector<256x256xi1>
        %or3A_99 = arith.ori %gt3A_89, %and3A_98 : vector<256x256xi1>
        %jit3A_100 = arith.constant 1 : i32
        %jit3A_101 = arith.constant 0 : i32
        %broadcast_in_dim3A_102 = vector.broadcast %jit3A_100 : i32 to vector<256x256xi32>
        %broadcast_in_dim3A_103 = vector.broadcast %jit3A_101 : i32 to vector<256x256xi32>
        %select_n3A_104 = arith.select %or3A_99, %broadcast_in_dim3A_102, %broadcast_in_dim3A_103 : vector<256x256xi1>, vector<256x256xi32>
        %reduce_sum3A_105 = arith.constant dense<0> : vector<256xi32>
        %reduce_sum3A_106 = vector.multi_reduction <add>, %select_n3A_104, %reduce_sum3A_105 [0] : vector<256x256xi32> to vector<256xi32>
        %broadcast_in_dim3A_107 = vector.shape_cast %reduce_sum3A_106 : vector<256xi32> to vector<1x256xi32>
        %mul3A_108 = arith.constant 4 : i32
        %mul3A_109 = arith.muli %mul3A_108, %scan3A_22 : i32
        %add3A_110 = arith.constant 3 : i32
        %add3A_111 = arith.addi %mul3A_109, %add3A_110 : i32
        %mul3A_112 = arith.constant 256 : i32
        %mul3A_113 = arith.muli %add3A_111, %mul3A_112 : i32
        %get3A_114 = arith.constant 0 : index
        %get3A_115 = arith.index_cast %mul3A_113 : i32 to index
        %get3A_116 = vector.load %arg0[%get3A_114, %get3A_115] : memref<1x5120xf32, #tpu.memory_space<vmem>>, vector<1x256xf32>
        %gt3A_117 = vector.broadcast %broadcast_in_dim3A_16 : vector<256x1xf32> to vector<256x256xf32>
        %gt3A_118 = vector.broadcast %get3A_116 : vector<1x256xf32> to vector<256x256xf32>
        %gt3A_119 = arith.cmpf ogt, %gt3A_117, %gt3A_118 : vector<256x256xf32>
        %eq3A_120 = vector.broadcast %broadcast_in_dim3A_16 : vector<256x1xf32> to vector<256x256xf32>
        %eq3A_121 = vector.broadcast %get3A_116 : vector<1x256xf32> to vector<256x256xf32>
        %eq3A_122 = arith.cmpf oeq, %eq3A_120, %eq3A_121 : vector<256x256xf32>
        %sub3A_123 = arith.subi %add3A_111, %scan3A_8 : i32
        %mul3A_124 = arith.constant 256 : i32
        %mul3A_125 = arith.muli %sub3A_123, %mul3A_124 : i32
        %lt3A_126 = vector.broadcast %mul3A_125 : i32 to vector<256x256xi32>
        %lt3A_127 = arith.cmpi slt, %sub3A, %lt3A_126 : vector<256x256xi32>
        %and3A_128 = arith.andi %eq3A_122, %lt3A_127 : vector<256x256xi1>
        %or3A_129 = arith.ori %gt3A_119, %and3A_128 : vector<256x256xi1>
        %jit3A_130 = arith.constant 1 : i32
        %jit3A_131 = arith.constant 0 : i32
        %broadcast_in_dim3A_132 = vector.broadcast %jit3A_130 : i32 to vector<256x256xi32>
        %broadcast_in_dim3A_133 = vector.broadcast %jit3A_131 : i32 to vector<256x256xi32>
        %select_n3A_134 = arith.select %or3A_129, %broadcast_in_dim3A_132, %broadcast_in_dim3A_133 : vector<256x256xi1>, vector<256x256xi32>
        %reduce_sum3A_135 = arith.constant dense<0> : vector<256xi32>
        %reduce_sum3A_136 = vector.multi_reduction <add>, %select_n3A_134, %reduce_sum3A_135 [0] : vector<256x256xi32> to vector<256xi32>
        %broadcast_in_dim3A_137 = vector.shape_cast %reduce_sum3A_136 : vector<256xi32> to vector<1x256xi32>
        %mul3A_138 = arith.constant 4 : i32
        %mul3A_139 = arith.muli %mul3A_138, %scan3A_22 : i32
        %add3A_140 = arith.constant 0 : i32
        %add3A_141 = arith.addi %mul3A_139, %add3A_140 : i32
        %mul3A_142 = arith.constant 256 : i32
        %mul3A_143 = arith.muli %add3A_141, %mul3A_142 : i32
        %get3A_144 = arith.constant 0 : index
        %get3A_145 = arith.index_cast %mul3A_143 : i32 to index
        %get3A_146 = vector.load %arg1[%get3A_144, %get3A_145] : memref<1x5120xi32, #tpu.memory_space<vmem>>, vector<1x256xi32>
        %add3A_147 = arith.addi %get3A_146, %broadcast_in_dim3A_47 : vector<1x256xi32>
        %swap3A_148 = arith.constant 0 : index
        %swap3A_149 = arith.index_cast %mul3A_143 : i32 to index
        %swap3A_150 = vector.load %arg1[%swap3A_148, %swap3A_149] : memref<1x5120xi32, #tpu.memory_space<vmem>>, vector<1x256xi32>
        tpu.vector_store %arg1[%swap3A_148, %swap3A_149], %add3A_147 {strides = array<i32>} : memref<1x5120xi32, #tpu.memory_space<vmem>>, vector<1x256xi32>,
        %mul3A_151 = arith.constant 4 : i32
        %mul3A_152 = arith.muli %mul3A_151, %scan3A_22 : i32
        %add3A_153 = arith.constant 1 : i32
        %add3A_154 = arith.addi %mul3A_152, %add3A_153 : i32
        %mul3A_155 = arith.constant 256 : i32
        %mul3A_156 = arith.muli %add3A_154, %mul3A_155 : i32
        %get3A_157 = arith.constant 0 : index
        %get3A_158 = arith.index_cast %mul3A_156 : i32 to index
        %get3A_159 = vector.load %arg1[%get3A_157, %get3A_158] : memref<1x5120xi32, #tpu.memory_space<vmem>>, vector<1x256xi32>
        %add3A_160 = arith.addi %get3A_159, %broadcast_in_dim3A_77 : vector<1x256xi32>
        %swap3A_161 = arith.constant 0 : index
        %swap3A_162 = arith.index_cast %mul3A_156 : i32 to index
        %swap3A_163 = vector.load %arg1[%swap3A_161, %swap3A_162] : memref<1x5120xi32, #tpu.memory_space<vmem>>, vector<1x256xi32>
        tpu.vector_store %arg1[%swap3A_161, %swap3A_162], %add3A_160 {strides = array<i32>} : memref<1x5120xi32, #tpu.memory_space<vmem>>, vector<1x256xi32>,
        %mul3A_164 = arith.constant 4 : i32
        %mul3A_165 = arith.muli %mul3A_164, %scan3A_22 : i32
        %add3A_166 = arith.constant 2 : i32
        %add3A_167 = arith.addi %mul3A_165, %add3A_166 : i32
        %mul3A_168 = arith.constant 256 : i32
        %mul3A_169 = arith.muli %add3A_167, %mul3A_168 : i32
        %get3A_170 = arith.constant 0 : index
        %get3A_171 = arith.index_cast %mul3A_169 : i32 to index
        %get3A_172 = vector.load %arg1[%get3A_170, %get3A_171] : memref<1x5120xi32, #tpu.memory_space<vmem>>, vector<1x256xi32>
        %add3A_173 = arith.addi %get3A_172, %broadcast_in_dim3A_107 : vector<1x256xi32>
        %swap3A_174 = arith.constant 0 : index
        %swap3A_175 = arith.index_cast %mul3A_169 : i32 to index
        %swap3A_176 = vector.load %arg1[%swap3A_174, %swap3A_175] : memref<1x5120xi32, #tpu.memory_space<vmem>>, vector<1x256xi32>
        tpu.vector_store %arg1[%swap3A_174, %swap3A_175], %add3A_173 {strides = array<i32>} : memref<1x5120xi32, #tpu.memory_space<vmem>>, vector<1x256xi32>,
        %mul3A_177 = arith.constant 4 : i32
        %mul3A_178 = arith.muli %mul3A_177, %scan3A_22 : i32
        %add3A_179 = arith.constant 3 : i32
        %add3A_180 = arith.addi %mul3A_178, %add3A_179 : i32
        %mul3A_181 = arith.constant 256 : i32
        %mul3A_182 = arith.muli %add3A_180, %mul3A_181 : i32
        %get3A_183 = arith.constant 0 : index
        %get3A_184 = arith.index_cast %mul3A_182 : i32 to index
        %get3A_185 = vector.load %arg1[%get3A_183, %get3A_184] : memref<1x5120xi32, #tpu.memory_space<vmem>>, vector<1x256xi32>
        %add3A_186 = arith.addi %get3A_185, %broadcast_in_dim3A_137 : vector<1x256xi32>
        %swap3A_187 = arith.constant 0 : index
        %swap3A_188 = arith.index_cast %mul3A_182 : i32 to index
        %swap3A_189 = vector.load %arg1[%swap3A_187, %swap3A_188] : memref<1x5120xi32, #tpu.memory_space<vmem>>, vector<1x256xi32>
        tpu.vector_store %arg1[%swap3A_187, %swap3A_188], %add3A_186 {strides = array<i32>} : memref<1x5120xi32, #tpu.memory_space<vmem>>, vector<1x256xi32>,
      }
      %scan3A_21 = arith.constant 5 : i32
    }
    %scan3A_7 = arith.constant 20 : i32
    return
  }
}

module attributes {stable_mosaic.version = 14 : i64} {
  func.func @_nms_kernel(%arg0: memref<1x5120xf32, #tpu.memory_space<vmem>>, %arg1: memref<1x5120xf32, #tpu.memory_space<vmem>>, %arg2: memref<1x5120xf32, #tpu.memory_space<vmem>>, %arg3: memref<5120x1xf32, #tpu.memory_space<vmem>>, %arg4: memref<5120x1xf32, #tpu.memory_space<vmem>>) attributes {dimension_semantics = [], scalar_prefetch = 0 : i64, scratch_operands = 2 : i64, tpu.core_type = #tpu.core_type<tc>} {
    %iota3A = tpu.iota {dimensions = array<i32: 0>} : vector<256x256xi32>
    %iota3A_0 = tpu.iota {dimensions = array<i32: 1>} : vector<256x256xi32>
    %lt3A = arith.cmpi slt, %iota3A, %iota3A_0 : vector<256x256xi32>
    %eq3A = arith.cmpi eq, %iota3A, %iota3A_0 : vector<256x256xi32>
    %scan3A = arith.constant 0 : i32
    %scan3A_1 = arith.constant 20 : i32
    %scan3A_2 = arith.addi %scan3A, %scan3A_1 : i32
    %scan3A_3 = arith.constant 1 : i32
    scf.for %scan3A_10 = %scan3A to %scan3A_2 step %scan3A_3  : i32 {
      %mul3A = arith.constant 256 : i32
      %mul3A_11 = arith.muli %scan3A_10, %mul3A : i32
      %get3A = arith.constant 0 : index
      %get3A_12 = arith.index_cast %mul3A_11 : i32 to index
      %get3A_13 = vector.load %arg0[%get3A, %get3A_12] : memref<1x5120xf32, #tpu.memory_space<vmem>>, vector<1x256xf32>
      %jit3A = arith.constant 0.000000e+00 : f32
      %broadcast_in_dim3A = vector.shape_cast %get3A_13 : vector<1x256xf32> to vector<1x256xf32>
      %broadcast_in_dim3A_14 = vector.broadcast %broadcast_in_dim3A : vector<1x256xf32> to vector<256x256xf32>
      %broadcast_in_dim3A_15 = vector.broadcast %jit3A : f32 to vector<256x256xf32>
      %select_n3A = arith.select %eq3A, %broadcast_in_dim3A_14, %broadcast_in_dim3A_15 : vector<256x256xi1>, vector<256x256xf32>
      %reduce_sum3A = arith.constant dense<0.000000e+00> : vector<256xf32>
      %reduce_sum3A_16 = vector.multi_reduction <add>, %select_n3A, %reduce_sum3A [1] : vector<256x256xf32> to vector<256xf32>
      %broadcast_in_dim3A_17 = vector.shape_cast %reduce_sum3A_16 : vector<256xf32> to vector<256x1xf32>
      %mul3A_18 = arith.constant 256 : i32
      %mul3A_19 = arith.muli %scan3A_10, %mul3A_18 : i32
      %swap3A = arith.index_cast %mul3A_19 : i32 to index
      %swap3A_20 = arith.constant 0 : index
      %swap3A_21 = vector.load %arg3[%swap3A, %swap3A_20] : memref<5120x1xf32, #tpu.memory_space<vmem>>, vector<256x1xf32>
      tpu.vector_store %arg3[%swap3A, %swap3A_20], %broadcast_in_dim3A_17 {strides = array<i32>} : memref<5120x1xf32, #tpu.memory_space<vmem>>, vector<256x1xf32>,
      %mul3A_22 = arith.constant 256 : i32
      %mul3A_23 = arith.muli %scan3A_10, %mul3A_22 : i32
      %get3A_24 = arith.constant 0 : index
      %get3A_25 = arith.index_cast %mul3A_23 : i32 to index
      %get3A_26 = vector.load %arg1[%get3A_24, %get3A_25] : memref<1x5120xf32, #tpu.memory_space<vmem>>, vector<1x256xf32>
      %jit3A_27 = arith.constant 0.000000e+00 : f32
      %broadcast_in_dim3A_28 = vector.shape_cast %get3A_26 : vector<1x256xf32> to vector<1x256xf32>
      %broadcast_in_dim3A_29 = vector.broadcast %broadcast_in_dim3A_28 : vector<1x256xf32> to vector<256x256xf32>
      %broadcast_in_dim3A_30 = vector.broadcast %jit3A_27 : f32 to vector<256x256xf32>
      %select_n3A_31 = arith.select %eq3A, %broadcast_in_dim3A_29, %broadcast_in_dim3A_30 : vector<256x256xi1>, vector<256x256xf32>
      %reduce_sum3A_32 = arith.constant dense<0.000000e+00> : vector<256xf32>
      %reduce_sum3A_33 = vector.multi_reduction <add>, %select_n3A_31, %reduce_sum3A_32 [1] : vector<256x256xf32> to vector<256xf32>
      %broadcast_in_dim3A_34 = vector.shape_cast %reduce_sum3A_33 : vector<256xf32> to vector<256x1xf32>
      %mul3A_35 = arith.constant 256 : i32
      %mul3A_36 = arith.muli %scan3A_10, %mul3A_35 : i32
      %swap3A_37 = arith.index_cast %mul3A_36 : i32 to index
      %swap3A_38 = arith.constant 0 : index
      %swap3A_39 = vector.load %arg4[%swap3A_37, %swap3A_38] : memref<5120x1xf32, #tpu.memory_space<vmem>>, vector<256x1xf32>
      tpu.vector_store %arg4[%swap3A_37, %swap3A_38], %broadcast_in_dim3A_34 {strides = array<i32>} : memref<5120x1xf32, #tpu.memory_space<vmem>>, vector<256x1xf32>,
    }
    %scan3A_4 = arith.constant 20 : i32
    %scan3A_5 = arith.constant 0 : i32
    %scan3A_6 = arith.constant 20 : i32
    %scan3A_7 = arith.addi %scan3A_5, %scan3A_6 : i32
    %scan3A_8 = arith.constant 1 : i32
    scf.for %scan3A_10 = %scan3A_5 to %scan3A_7 step %scan3A_8  : i32 {
      %mul3A = arith.constant 256 : i32
      %mul3A_11 = arith.muli %scan3A_10, %mul3A : i32
      %get3A = arith.constant 0 : index
      %get3A_12 = arith.index_cast %mul3A_11 : i32 to index
      %get3A_13 = vector.load %arg0[%get3A, %get3A_12] : memref<1x5120xf32, #tpu.memory_space<vmem>>, vector<1x256xf32>
      %mul3A_14 = arith.constant 256 : i32
      %mul3A_15 = arith.muli %scan3A_10, %mul3A_14 : i32
      %get3A_16 = arith.constant 0 : index
      %get3A_17 = arith.index_cast %mul3A_15 : i32 to index
      %get3A_18 = vector.load %arg1[%get3A_16, %get3A_17] : memref<1x5120xf32, #tpu.memory_space<vmem>>, vector<1x256xf32>
      %jit3A = arith.constant 2 : i32
      %div3A = arith.divsi %scan3A_10, %jit3A : i32
      %sign3A = arith.constant 0 : i32
      %sign3A_19 = arith.cmpi sgt, %scan3A_10, %sign3A : i32
      %sign3A_20 = arith.extui %sign3A_19 : i1 to i32
      %sign3A_21 = arith.constant 0 : i32
      %sign3A_22 = arith.cmpi slt, %scan3A_10, %sign3A_21 : i32
      %sign3A_23 = arith.extui %sign3A_22 : i1 to i32
      %sign3A_24 = arith.subi %sign3A_20, %sign3A_23 : i32
      %sign3A_25 = arith.constant 0 : i32
      %sign3A_26 = arith.cmpi sgt, %jit3A, %sign3A_25 : i32
      %sign3A_27 = arith.extui %sign3A_26 : i1 to i32
      %sign3A_28 = arith.constant 0 : i32
      %sign3A_29 = arith.cmpi slt, %jit3A, %sign3A_28 : i32
      %sign3A_30 = arith.extui %sign3A_29 : i1 to i32
      %sign3A_31 = arith.subi %sign3A_27, %sign3A_30 : i32
      %ne3A = arith.cmpi ne, %sign3A_24, %sign3A_31 : i32
      %rem3A = arith.remsi %scan3A_10, %jit3A : i32
      %ne3A_32 = arith.constant 0 : i32
      %ne3A_33 = arith.cmpi ne, %rem3A, %ne3A_32 : i32
      %and3A = arith.andi %ne3A, %ne3A_33 : i1
      %sub3A = arith.constant 1 : i32
      %sub3A_34 = arith.subi %div3A, %sub3A : i32
      %select_n3A = arith.select %and3A, %sub3A_34, %div3A : i32
      %broadcast_in_dim3A = arith.constant 0.000000e+00 : f32
      %broadcast_in_dim3A_35 = vector.broadcast %broadcast_in_dim3A : f32 to vector<1x256xf32>
      %while3A = arith.constant 0 : i32
      %while3A_36 = arith.subi %select_n3A, %while3A : i32
      %while3A_37 = arith.addi %while3A, %while3A_36 : i32
      %while3A_38 = arith.constant 1 : i32
      %while3A_39 = arith.divsi %while3A_36, %while3A_38 : i32
      %while3A_40 = arith.muli %while3A_39, %while3A_38 : i32
      %while3A_41 = arith.addi %while3A, %while3A_40 : i32
      %while3A_42 = arith.constant 1 : i32
      %while3A_43 = scf.for %while3A_128 = %while3A to %while3A_41 step %while3A_42 iter_args(%while3A_129 = %broadcast_in_dim3A_35) -> (vector<1x256xf32>)  : i32 {
        %mul3A_130 = arith.constant 2 : i32
        %mul3A_131 = arith.muli %mul3A_130, %while3A_128 : i32
        %add3A_132 = arith.constant 1 : i32
        %add3A_133 = arith.addi %mul3A_131, %add3A_132 : i32
        %mul3A_134 = arith.constant 2 : i32
        %mul3A_135 = arith.muli %mul3A_134, %while3A_128 : i32
        %mul3A_136 = arith.constant 256 : i32
        %mul3A_137 = arith.muli %mul3A_135, %mul3A_136 : i32
        %get3A_138 = arith.index_cast %mul3A_137 : i32 to index
        %get3A_139 = arith.constant 0 : index
        %get3A_140 = vector.load %arg3[%get3A_138, %get3A_139] : memref<5120x1xf32, #tpu.memory_space<vmem>>, vector<256x1xf32>
        %mul3A_141 = arith.constant 256 : i32
        %mul3A_142 = arith.muli %mul3A_135, %mul3A_141 : i32
        %get3A_143 = arith.index_cast %mul3A_142 : i32 to index
        %get3A_144 = arith.constant 0 : index
        %get3A_145 = vector.load %arg4[%get3A_143, %get3A_144] : memref<5120x1xf32, #tpu.memory_space<vmem>>, vector<256x1xf32>
        %sub3A_146 = vector.broadcast %get3A_140 : vector<256x1xf32> to vector<256x256xf32>
        %sub3A_147 = vector.broadcast %get3A_13 : vector<1x256xf32> to vector<256x256xf32>
        %sub3A_148 = arith.subf %sub3A_146, %sub3A_147 : vector<256x256xf32>
        %sub3A_149 = vector.broadcast %get3A_145 : vector<256x1xf32> to vector<256x256xf32>
        %sub3A_150 = vector.broadcast %get3A_18 : vector<1x256xf32> to vector<256x256xf32>
        %sub3A_151 = arith.subf %sub3A_149, %sub3A_150 : vector<256x256xf32>
        %mul3A_152 = arith.mulf %sub3A_148, %sub3A_148 : vector<256x256xf32>
        %mul3A_153 = arith.mulf %sub3A_151, %sub3A_151 : vector<256x256xf32>
        %add3A_154 = arith.addf %mul3A_152, %mul3A_153 : vector<256x256xf32>
        %lt3A_155 = arith.constant 6.400000e+01 : f32
        %lt3A_156 = vector.broadcast %lt3A_155 : f32 to vector<256x256xf32>
        %lt3A_157 = arith.cmpf olt, %add3A_154, %lt3A_156 : vector<256x256xf32>
        %jit3A_158 = arith.constant 1.000000e+00 : f32
        %jit3A_159 = arith.constant 0.000000e+00 : f32
        %broadcast_in_dim3A_160 = vector.broadcast %jit3A_158 : f32 to vector<256x256xf32>
        %broadcast_in_dim3A_161 = vector.broadcast %jit3A_159 : f32 to vector<256x256xf32>
        %select_n3A_162 = arith.select %lt3A_157, %broadcast_in_dim3A_160, %broadcast_in_dim3A_161 : vector<256x256xi1>, vector<256x256xf32>
        %reduce_max3A = arith.constant dense<0xFF800000> : vector<256xf32>
        %reduce_max3A_163 = vector.multi_reduction <maximumf>, %select_n3A_162, %reduce_max3A [0] : vector<256x256xf32> to vector<256xf32>
        %broadcast_in_dim3A_164 = vector.shape_cast %reduce_max3A_163 : vector<256xf32> to vector<1x256xf32>
        %max3A = arith.maximumf %while3A_129, %broadcast_in_dim3A_164 : vector<1x256xf32>
        %mul3A_165 = arith.constant 256 : i32
        %mul3A_166 = arith.muli %add3A_133, %mul3A_165 : i32
        %get3A_167 = arith.index_cast %mul3A_166 : i32 to index
        %get3A_168 = arith.constant 0 : index
        %get3A_169 = vector.load %arg3[%get3A_167, %get3A_168] : memref<5120x1xf32, #tpu.memory_space<vmem>>, vector<256x1xf32>
        %mul3A_170 = arith.constant 256 : i32
        %mul3A_171 = arith.muli %add3A_133, %mul3A_170 : i32
        %get3A_172 = arith.index_cast %mul3A_171 : i32 to index
        %get3A_173 = arith.constant 0 : index
        %get3A_174 = vector.load %arg4[%get3A_172, %get3A_173] : memref<5120x1xf32, #tpu.memory_space<vmem>>, vector<256x1xf32>
        %sub3A_175 = vector.broadcast %get3A_169 : vector<256x1xf32> to vector<256x256xf32>
        %sub3A_176 = vector.broadcast %get3A_13 : vector<1x256xf32> to vector<256x256xf32>
        %sub3A_177 = arith.subf %sub3A_175, %sub3A_176 : vector<256x256xf32>
        %sub3A_178 = vector.broadcast %get3A_174 : vector<256x1xf32> to vector<256x256xf32>
        %sub3A_179 = vector.broadcast %get3A_18 : vector<1x256xf32> to vector<256x256xf32>
        %sub3A_180 = arith.subf %sub3A_178, %sub3A_179 : vector<256x256xf32>
        %mul3A_181 = arith.mulf %sub3A_177, %sub3A_177 : vector<256x256xf32>
        %mul3A_182 = arith.mulf %sub3A_180, %sub3A_180 : vector<256x256xf32>
        %add3A_183 = arith.addf %mul3A_181, %mul3A_182 : vector<256x256xf32>
        %lt3A_184 = arith.constant 6.400000e+01 : f32
        %lt3A_185 = vector.broadcast %lt3A_184 : f32 to vector<256x256xf32>
        %lt3A_186 = arith.cmpf olt, %add3A_183, %lt3A_185 : vector<256x256xf32>
        %jit3A_187 = arith.constant 1.000000e+00 : f32
        %jit3A_188 = arith.constant 0.000000e+00 : f32
        %broadcast_in_dim3A_189 = vector.broadcast %jit3A_187 : f32 to vector<256x256xf32>
        %broadcast_in_dim3A_190 = vector.broadcast %jit3A_188 : f32 to vector<256x256xf32>
        %select_n3A_191 = arith.select %lt3A_186, %broadcast_in_dim3A_189, %broadcast_in_dim3A_190 : vector<256x256xi1>, vector<256x256xf32>
        %reduce_max3A_192 = arith.constant dense<0xFF800000> : vector<256xf32>
        %reduce_max3A_193 = vector.multi_reduction <maximumf>, %select_n3A_191, %reduce_max3A_192 [0] : vector<256x256xf32> to vector<256xf32>
        %broadcast_in_dim3A_194 = vector.shape_cast %reduce_max3A_193 : vector<256xf32> to vector<1x256xf32>
        %max3A_195 = arith.maximumf %max3A, %broadcast_in_dim3A_194 : vector<1x256xf32>
        scf.yield %max3A_195 : vector<1x256xf32>
      }
      %while3A_44 = arith.constant 1 : i32
      %while3A_45 = scf.for %while3A_128 = %while3A_41 to %while3A_37 step %while3A_44 iter_args(%while3A_129 = %while3A_43) -> (vector<1x256xf32>)  : i32 {
        %mul3A_130 = arith.constant 2 : i32
        %mul3A_131 = arith.muli %mul3A_130, %while3A_128 : i32
        %add3A_132 = arith.constant 1 : i32
        %add3A_133 = arith.addi %mul3A_131, %add3A_132 : i32
        %mul3A_134 = arith.constant 2 : i32
        %mul3A_135 = arith.muli %mul3A_134, %while3A_128 : i32
        %mul3A_136 = arith.constant 256 : i32
        %mul3A_137 = arith.muli %mul3A_135, %mul3A_136 : i32
        %get3A_138 = arith.index_cast %mul3A_137 : i32 to index
        %get3A_139 = arith.constant 0 : index
        %get3A_140 = vector.load %arg3[%get3A_138, %get3A_139] : memref<5120x1xf32, #tpu.memory_space<vmem>>, vector<256x1xf32>
        %mul3A_141 = arith.constant 256 : i32
        %mul3A_142 = arith.muli %mul3A_135, %mul3A_141 : i32
        %get3A_143 = arith.index_cast %mul3A_142 : i32 to index
        %get3A_144 = arith.constant 0 : index
        %get3A_145 = vector.load %arg4[%get3A_143, %get3A_144] : memref<5120x1xf32, #tpu.memory_space<vmem>>, vector<256x1xf32>
        %sub3A_146 = vector.broadcast %get3A_140 : vector<256x1xf32> to vector<256x256xf32>
        %sub3A_147 = vector.broadcast %get3A_13 : vector<1x256xf32> to vector<256x256xf32>
        %sub3A_148 = arith.subf %sub3A_146, %sub3A_147 : vector<256x256xf32>
        %sub3A_149 = vector.broadcast %get3A_145 : vector<256x1xf32> to vector<256x256xf32>
        %sub3A_150 = vector.broadcast %get3A_18 : vector<1x256xf32> to vector<256x256xf32>
        %sub3A_151 = arith.subf %sub3A_149, %sub3A_150 : vector<256x256xf32>
        %mul3A_152 = arith.mulf %sub3A_148, %sub3A_148 : vector<256x256xf32>
        %mul3A_153 = arith.mulf %sub3A_151, %sub3A_151 : vector<256x256xf32>
        %add3A_154 = arith.addf %mul3A_152, %mul3A_153 : vector<256x256xf32>
        %lt3A_155 = arith.constant 6.400000e+01 : f32
        %lt3A_156 = vector.broadcast %lt3A_155 : f32 to vector<256x256xf32>
        %lt3A_157 = arith.cmpf olt, %add3A_154, %lt3A_156 : vector<256x256xf32>
        %jit3A_158 = arith.constant 1.000000e+00 : f32
        %jit3A_159 = arith.constant 0.000000e+00 : f32
        %broadcast_in_dim3A_160 = vector.broadcast %jit3A_158 : f32 to vector<256x256xf32>
        %broadcast_in_dim3A_161 = vector.broadcast %jit3A_159 : f32 to vector<256x256xf32>
        %select_n3A_162 = arith.select %lt3A_157, %broadcast_in_dim3A_160, %broadcast_in_dim3A_161 : vector<256x256xi1>, vector<256x256xf32>
        %reduce_max3A = arith.constant dense<0xFF800000> : vector<256xf32>
        %reduce_max3A_163 = vector.multi_reduction <maximumf>, %select_n3A_162, %reduce_max3A [0] : vector<256x256xf32> to vector<256xf32>
        %broadcast_in_dim3A_164 = vector.shape_cast %reduce_max3A_163 : vector<256xf32> to vector<1x256xf32>
        %max3A = arith.maximumf %while3A_129, %broadcast_in_dim3A_164 : vector<1x256xf32>
        %mul3A_165 = arith.constant 256 : i32
        %mul3A_166 = arith.muli %add3A_133, %mul3A_165 : i32
        %get3A_167 = arith.index_cast %mul3A_166 : i32 to index
        %get3A_168 = arith.constant 0 : index
        %get3A_169 = vector.load %arg3[%get3A_167, %get3A_168] : memref<5120x1xf32, #tpu.memory_space<vmem>>, vector<256x1xf32>
        %mul3A_170 = arith.constant 256 : i32
        %mul3A_171 = arith.muli %add3A_133, %mul3A_170 : i32
        %get3A_172 = arith.index_cast %mul3A_171 : i32 to index
        %get3A_173 = arith.constant 0 : index
        %get3A_174 = vector.load %arg4[%get3A_172, %get3A_173] : memref<5120x1xf32, #tpu.memory_space<vmem>>, vector<256x1xf32>
        %sub3A_175 = vector.broadcast %get3A_169 : vector<256x1xf32> to vector<256x256xf32>
        %sub3A_176 = vector.broadcast %get3A_13 : vector<1x256xf32> to vector<256x256xf32>
        %sub3A_177 = arith.subf %sub3A_175, %sub3A_176 : vector<256x256xf32>
        %sub3A_178 = vector.broadcast %get3A_174 : vector<256x1xf32> to vector<256x256xf32>
        %sub3A_179 = vector.broadcast %get3A_18 : vector<1x256xf32> to vector<256x256xf32>
        %sub3A_180 = arith.subf %sub3A_178, %sub3A_179 : vector<256x256xf32>
        %mul3A_181 = arith.mulf %sub3A_177, %sub3A_177 : vector<256x256xf32>
        %mul3A_182 = arith.mulf %sub3A_180, %sub3A_180 : vector<256x256xf32>
        %add3A_183 = arith.addf %mul3A_181, %mul3A_182 : vector<256x256xf32>
        %lt3A_184 = arith.constant 6.400000e+01 : f32
        %lt3A_185 = vector.broadcast %lt3A_184 : f32 to vector<256x256xf32>
        %lt3A_186 = arith.cmpf olt, %add3A_183, %lt3A_185 : vector<256x256xf32>
        %jit3A_187 = arith.constant 1.000000e+00 : f32
        %jit3A_188 = arith.constant 0.000000e+00 : f32
        %broadcast_in_dim3A_189 = vector.broadcast %jit3A_187 : f32 to vector<256x256xf32>
        %broadcast_in_dim3A_190 = vector.broadcast %jit3A_188 : f32 to vector<256x256xf32>
        %select_n3A_191 = arith.select %lt3A_186, %broadcast_in_dim3A_189, %broadcast_in_dim3A_190 : vector<256x256xi1>, vector<256x256xf32>
        %reduce_max3A_192 = arith.constant dense<0xFF800000> : vector<256xf32>
        %reduce_max3A_193 = vector.multi_reduction <maximumf>, %select_n3A_191, %reduce_max3A_192 [0] : vector<256x256xf32> to vector<256xf32>
        %broadcast_in_dim3A_194 = vector.shape_cast %reduce_max3A_193 : vector<256xf32> to vector<1x256xf32>
        %max3A_195 = arith.maximumf %max3A, %broadcast_in_dim3A_194 : vector<1x256xf32>
        scf.yield %max3A_195 : vector<1x256xf32>
      }
      %jit3A_46 = arith.constant 2 : i32
      %eq3A_47 = arith.constant 0 : i32
      %eq3A_48 = arith.cmpi eq, %jit3A_46, %eq3A_47 : i32
      %jit3A_49 = arith.constant 1 : i32
      %select_n3A_50 = arith.select %eq3A_48, %jit3A_49, %jit3A_46 : i32
      %rem3A_51 = arith.remsi %scan3A_10, %select_n3A_50 : i32
      %ne3A_52 = arith.constant 0 : i32
      %ne3A_53 = arith.cmpi ne, %rem3A_51, %ne3A_52 : i32
      %lt3A_54 = arith.constant 0 : i32
      %lt3A_55 = arith.cmpi slt, %rem3A_51, %lt3A_54 : i32
      %lt3A_56 = arith.constant 0 : i32
      %lt3A_57 = arith.cmpi slt, %select_n3A_50, %lt3A_56 : i32
      %ne3A_58 = arith.xori %lt3A_55, %lt3A_57 : i1
      %and3A_59 = arith.andi %ne3A_58, %ne3A_53 : i1
      %add3A = arith.addi %rem3A_51, %select_n3A_50 : i32
      %select_n3A_60 = arith.select %and3A_59, %add3A, %rem3A_51 : i32
      %eq3A_61 = arith.constant 1 : i32
      %eq3A_62 = arith.cmpi eq, %select_n3A_60, %eq3A_61 : i32
      %convert_element_type3A = arith.extui %eq3A_62 : i1 to i32
      %cond3A = arith.constant 0 : i32
      %cond3A_63 = arith.cmpi ne, %convert_element_type3A, %cond3A : i32
      %cond3A_64 = scf.if %cond3A_63 -> (vector<1x256xf32>) {
        %sub3A_128 = arith.constant 1 : i32
        %sub3A_129 = arith.subi %scan3A_10, %sub3A_128 : i32
        %mul3A_130 = arith.constant 256 : i32
        %mul3A_131 = arith.muli %sub3A_129, %mul3A_130 : i32
        %get3A_132 = arith.index_cast %mul3A_131 : i32 to index
        %get3A_133 = arith.constant 0 : index
        %get3A_134 = vector.load %arg3[%get3A_132, %get3A_133] : memref<5120x1xf32, #tpu.memory_space<vmem>>, vector<256x1xf32>
        %mul3A_135 = arith.constant 256 : i32
        %mul3A_136 = arith.muli %sub3A_129, %mul3A_135 : i32
        %get3A_137 = arith.index_cast %mul3A_136 : i32 to index
        %get3A_138 = arith.constant 0 : index
        %get3A_139 = vector.load %arg4[%get3A_137, %get3A_138] : memref<5120x1xf32, #tpu.memory_space<vmem>>, vector<256x1xf32>
        %sub3A_140 = vector.broadcast %get3A_134 : vector<256x1xf32> to vector<256x256xf32>
        %sub3A_141 = vector.broadcast %get3A_13 : vector<1x256xf32> to vector<256x256xf32>
        %sub3A_142 = arith.subf %sub3A_140, %sub3A_141 : vector<256x256xf32>
        %sub3A_143 = vector.broadcast %get3A_139 : vector<256x1xf32> to vector<256x256xf32>
        %sub3A_144 = vector.broadcast %get3A_18 : vector<1x256xf32> to vector<256x256xf32>
        %sub3A_145 = arith.subf %sub3A_143, %sub3A_144 : vector<256x256xf32>
        %mul3A_146 = arith.mulf %sub3A_142, %sub3A_142 : vector<256x256xf32>
        %mul3A_147 = arith.mulf %sub3A_145, %sub3A_145 : vector<256x256xf32>
        %add3A_148 = arith.addf %mul3A_146, %mul3A_147 : vector<256x256xf32>
        %lt3A_149 = arith.constant 6.400000e+01 : f32
        %lt3A_150 = vector.broadcast %lt3A_149 : f32 to vector<256x256xf32>
        %lt3A_151 = arith.cmpf olt, %add3A_148, %lt3A_150 : vector<256x256xf32>
        %jit3A_152 = arith.constant 1.000000e+00 : f32
        %jit3A_153 = arith.constant 0.000000e+00 : f32
        %broadcast_in_dim3A_154 = vector.broadcast %jit3A_152 : f32 to vector<256x256xf32>
        %broadcast_in_dim3A_155 = vector.broadcast %jit3A_153 : f32 to vector<256x256xf32>
        %select_n3A_156 = arith.select %lt3A_151, %broadcast_in_dim3A_154, %broadcast_in_dim3A_155 : vector<256x256xi1>, vector<256x256xf32>
        %reduce_max3A = arith.constant dense<0xFF800000> : vector<256xf32>
        %reduce_max3A_157 = vector.multi_reduction <maximumf>, %select_n3A_156, %reduce_max3A [0] : vector<256x256xf32> to vector<256xf32>
        %broadcast_in_dim3A_158 = vector.shape_cast %reduce_max3A_157 : vector<256xf32> to vector<1x256xf32>
        %max3A = arith.maximumf %while3A_45, %broadcast_in_dim3A_158 : vector<1x256xf32>
        scf.yield %max3A : vector<1x256xf32>
      } else {
        scf.yield %while3A_45 : vector<1x256xf32>
      }
      %sub3A_65 = arith.constant 1.000000e+00 : f32
      %sub3A_66 = vector.broadcast %sub3A_65 : f32 to vector<1x256xf32>
      %sub3A_67 = arith.subf %sub3A_66, %cond3A_64 : vector<1x256xf32>
      %mul3A_68 = arith.constant 256 : i32
      %mul3A_69 = arith.muli %scan3A_10, %mul3A_68 : i32
      %get3A_70 = arith.index_cast %mul3A_69 : i32 to index
      %get3A_71 = arith.constant 0 : index
      %get3A_72 = vector.load %arg3[%get3A_70, %get3A_71] : memref<5120x1xf32, #tpu.memory_space<vmem>>, vector<256x1xf32>
      %mul3A_73 = arith.constant 256 : i32
      %mul3A_74 = arith.muli %scan3A_10, %mul3A_73 : i32
      %get3A_75 = arith.index_cast %mul3A_74 : i32 to index
      %get3A_76 = arith.constant 0 : index
      %get3A_77 = vector.load %arg4[%get3A_75, %get3A_76] : memref<5120x1xf32, #tpu.memory_space<vmem>>, vector<256x1xf32>
      %sub3A_78 = vector.broadcast %get3A_72 : vector<256x1xf32> to vector<256x256xf32>
      %sub3A_79 = vector.broadcast %get3A_13 : vector<1x256xf32> to vector<256x256xf32>
      %sub3A_80 = arith.subf %sub3A_78, %sub3A_79 : vector<256x256xf32>
      %sub3A_81 = vector.broadcast %get3A_77 : vector<256x1xf32> to vector<256x256xf32>
      %sub3A_82 = vector.broadcast %get3A_18 : vector<1x256xf32> to vector<256x256xf32>
      %sub3A_83 = arith.subf %sub3A_81, %sub3A_82 : vector<256x256xf32>
      %mul3A_84 = arith.mulf %sub3A_80, %sub3A_80 : vector<256x256xf32>
      %mul3A_85 = arith.mulf %sub3A_83, %sub3A_83 : vector<256x256xf32>
      %add3A_86 = arith.addf %mul3A_84, %mul3A_85 : vector<256x256xf32>
      %lt3A_87 = arith.constant 6.400000e+01 : f32
      %lt3A_88 = vector.broadcast %lt3A_87 : f32 to vector<256x256xf32>
      %lt3A_89 = arith.cmpf olt, %add3A_86, %lt3A_88 : vector<256x256xf32>
      %and3A_90 = arith.andi %lt3A_89, %lt3A : vector<256x256xi1>
      %jit3A_91 = arith.constant 1.000000e+00 : f32
      %jit3A_92 = arith.constant 0.000000e+00 : f32
      %broadcast_in_dim3A_93 = vector.broadcast %jit3A_91 : f32 to vector<256x256xf32>
      %broadcast_in_dim3A_94 = vector.broadcast %jit3A_92 : f32 to vector<256x256xf32>
      %select_n3A_95 = arith.select %and3A_90, %broadcast_in_dim3A_93, %broadcast_in_dim3A_94 : vector<256x256xi1>, vector<256x256xf32>
      %while3A_96 = arith.constant true
      %while3A_97:2 = scf.while (%while3A_128 = %sub3A_67, %while3A_129 = %while3A_96) : (vector<1x256xf32>, i1) -> (vector<1x256xf32>, i1) {
        scf.condition(%while3A_129) %while3A_128, %while3A_129 : vector<1x256xf32>, i1
      } do {
      ^bb0(%while3A_128: vector<1x256xf32>, %while3A_129: i1):
        %dot_general3A = arith.constant dense<0.000000e+00> : vector<1x256xf32>
        %dot_general3A_130 = tpu.matmul %while3A_128, %select_n3A_95, %dot_general3A {dimension_numbers = #tpu.dot_dimension_numbers<[1], [0], [0], [1], [0, 0, 1, 1], [], []>, transpose_lhs_hint = false} : vector<1x256xf32>, vector<256x256xf32>, vector<1x256xf32> -> vector<1x256xf32>
        %gt3A = arith.constant 0.000000e+00 : f32
        %gt3A_131 = vector.broadcast %gt3A : f32 to vector<1x256xf32>
        %gt3A_132 = arith.cmpf ogt, %dot_general3A_130, %gt3A_131 : vector<1x256xf32>
        %jit3A_133 = arith.constant 0.000000e+00 : f32
        %jit3A_134 = arith.constant 1.000000e+00 : f32
        %broadcast_in_dim3A_135 = vector.broadcast %jit3A_133 : f32 to vector<1x256xf32>
        %broadcast_in_dim3A_136 = vector.broadcast %jit3A_134 : f32 to vector<1x256xf32>
        %select_n3A_137 = arith.select %gt3A_132, %broadcast_in_dim3A_135, %broadcast_in_dim3A_136 : vector<1x256xi1>, vector<1x256xf32>
        %mul3A_138 = arith.mulf %sub3A_67, %select_n3A_137 : vector<1x256xf32>
        %dot_general3A_139 = arith.constant dense<0.000000e+00> : vector<1x256xf32>
        %dot_general3A_140 = tpu.matmul %mul3A_138, %select_n3A_95, %dot_general3A_139 {dimension_numbers = #tpu.dot_dimension_numbers<[1], [0], [0], [1], [0, 0, 1, 1], [], []>, transpose_lhs_hint = false} : vector<1x256xf32>, vector<256x256xf32>, vector<1x256xf32> -> vector<1x256xf32>
        %gt3A_141 = arith.constant 0.000000e+00 : f32
        %gt3A_142 = vector.broadcast %gt3A_141 : f32 to vector<1x256xf32>
        %gt3A_143 = arith.cmpf ogt, %dot_general3A_140, %gt3A_142 : vector<1x256xf32>
        %jit3A_144 = arith.constant 0.000000e+00 : f32
        %jit3A_145 = arith.constant 1.000000e+00 : f32
        %broadcast_in_dim3A_146 = vector.broadcast %jit3A_144 : f32 to vector<1x256xf32>
        %broadcast_in_dim3A_147 = vector.broadcast %jit3A_145 : f32 to vector<1x256xf32>
        %select_n3A_148 = arith.select %gt3A_143, %broadcast_in_dim3A_146, %broadcast_in_dim3A_147 : vector<1x256xi1>, vector<1x256xf32>
        %mul3A_149 = arith.mulf %sub3A_67, %select_n3A_148 : vector<1x256xf32>
        %ne3A_150 = arith.cmpf one, %mul3A_149, %while3A_128 : vector<1x256xf32>
        %reduce_or3A = arith.constant 1.000000e+00 : f32
        %reduce_or3A_151 = arith.constant 0.000000e+00 : f32
        %reduce_or3A_152 = vector.broadcast %reduce_or3A : f32 to vector<1x256xf32>
        %reduce_or3A_153 = vector.broadcast %reduce_or3A_151 : f32 to vector<1x256xf32>
        %reduce_or3A_154 = arith.select %ne3A_150, %reduce_or3A_152, %reduce_or3A_153 : vector<1x256xi1>, vector<1x256xf32>
        %reduce_or3A_155 = vector.shape_cast %reduce_or3A_154 : vector<1x256xf32> to vector<1x1x256xf32>
        %reduce_or3A_156 = arith.constant dense<0xFF800000> : vector<1xf32>
        %reduce_or3A_157 = vector.multi_reduction <maximumf>, %reduce_or3A_155, %reduce_or3A_156 [1, 2] : vector<1x1x256xf32> to vector<1xf32>
        %reduce_or3A_158 = vector.shape_cast %reduce_or3A_157 : vector<1xf32> to vector<1x1x1xf32>
        %reduce_or3A_159 = vector.extract %reduce_or3A_158[0, 0, 0] : f32 from vector<1x1x1xf32>
        %reduce_or3A_160 = arith.constant 0.000000e+00 : f32
        %reduce_or3A_161 = arith.cmpf ogt, %reduce_or3A_159, %reduce_or3A_160 : f32
        scf.yield %mul3A_149, %reduce_or3A_161 : vector<1x256xf32>, i1
      }
      %mul3A_98 = arith.constant 256 : i32
      %mul3A_99 = arith.muli %scan3A_10, %mul3A_98 : i32
      %swap3A = arith.constant 0 : index
      %swap3A_100 = arith.index_cast %mul3A_99 : i32 to index
      %swap3A_101 = vector.load %arg2[%swap3A, %swap3A_100] : memref<1x5120xf32, #tpu.memory_space<vmem>>, vector<1x256xf32>
      tpu.vector_store %arg2[%swap3A, %swap3A_100], %while3A_97#0 {strides = array<i32>} : memref<1x5120xf32, #tpu.memory_space<vmem>>, vector<1x256xf32>,
      %jit3A_102 = arith.constant 0.000000e+00 : f32
      %broadcast_in_dim3A_103 = vector.shape_cast %while3A_97#0 : vector<1x256xf32> to vector<1x256xf32>
      %broadcast_in_dim3A_104 = vector.broadcast %broadcast_in_dim3A_103 : vector<1x256xf32> to vector<256x256xf32>
      %broadcast_in_dim3A_105 = vector.broadcast %jit3A_102 : f32 to vector<256x256xf32>
      %select_n3A_106 = arith.select %eq3A, %broadcast_in_dim3A_104, %broadcast_in_dim3A_105 : vector<256x256xi1>, vector<256x256xf32>
      %reduce_sum3A = arith.constant dense<0.000000e+00> : vector<256xf32>
      %reduce_sum3A_107 = vector.multi_reduction <add>, %select_n3A_106, %reduce_sum3A [1] : vector<256x256xf32> to vector<256xf32>
      %broadcast_in_dim3A_108 = vector.shape_cast %reduce_sum3A_107 : vector<256xf32> to vector<256x1xf32>
      %lt3A_109 = arith.constant 5.000000e-01 : f32
      %lt3A_110 = vector.broadcast %lt3A_109 : f32 to vector<256x1xf32>
      %lt3A_111 = arith.cmpf olt, %broadcast_in_dim3A_108, %lt3A_110 : vector<256x1xf32>
      %jit3A_112 = arith.constant 1.000000e+09 : f32
      %broadcast_in_dim3A_113 = vector.broadcast %jit3A_112 : f32 to vector<256x1xf32>
      %select_n3A_114 = arith.select %lt3A_111, %broadcast_in_dim3A_113, %get3A_72 : vector<256x1xi1>, vector<256x1xf32>
      %mul3A_115 = arith.constant 256 : i32
      %mul3A_116 = arith.muli %scan3A_10, %mul3A_115 : i32
      %swap3A_117 = arith.index_cast %mul3A_116 : i32 to index
      %swap3A_118 = arith.constant 0 : index
      %swap3A_119 = vector.load %arg3[%swap3A_117, %swap3A_118] : memref<5120x1xf32, #tpu.memory_space<vmem>>, vector<256x1xf32>
      tpu.vector_store %arg3[%swap3A_117, %swap3A_118], %select_n3A_114 {strides = array<i32>} : memref<5120x1xf32, #tpu.memory_space<vmem>>, vector<256x1xf32>,
      %jit3A_120 = arith.constant 1.000000e+09 : f32
      %broadcast_in_dim3A_121 = vector.broadcast %jit3A_120 : f32 to vector<256x1xf32>
      %select_n3A_122 = arith.select %lt3A_111, %broadcast_in_dim3A_121, %get3A_77 : vector<256x1xi1>, vector<256x1xf32>
      %mul3A_123 = arith.constant 256 : i32
      %mul3A_124 = arith.muli %scan3A_10, %mul3A_123 : i32
      %swap3A_125 = arith.index_cast %mul3A_124 : i32 to index
      %swap3A_126 = arith.constant 0 : index
      %swap3A_127 = vector.load %arg4[%swap3A_125, %swap3A_126] : memref<5120x1xf32, #tpu.memory_space<vmem>>, vector<256x1xf32>
      tpu.vector_store %arg4[%swap3A_125, %swap3A_126], %select_n3A_122 {strides = array<i32>} : memref<5120x1xf32, #tpu.memory_space<vmem>>, vector<256x1xf32>,
    }
    %scan3A_9 = arith.constant 20 : i32
    return
  }
}

</mosaic_0001>

<sc_bundles>
// kernel: kernel.6.cloned.1.call-start
scs
__scs_entry_jumppad:
0x0: {  	(pc) =	sbr.rel $0x88, $3  }
0x1: {  	(tag) =	ssettag $0x0;
	lr =	simm.s32 $0x1  }
0x2: {  	[smem:$0x3F9F] =	sst lr;
	_ =	strace $0xD0000000  }
0x3: {  	_ = 	snop  }
0x4: {  	_ = 	snop  }
0x5: {  	_ = 	snop  }
0x6: {  	_ = 	snop  }
0x7: {  	_ = 	snop  }
__scs_overlays_trampoline_lowered:
0x8: {  	[smem:$0x3FAE] =	sst s0  }
0x9: {  	[smem:$0x3FAF] =	sst s1  }
0xa: {  	[smem:$0x3FB0] =	sst s2  }
0xb: {  	[smem:$0x3FB1] =	sst s3  }
0xc: {  	[smem:$0x3FB2] =	sst s4  }
0xd: {  	[smem:$0x3FB3] =	sst s5  }
0xe: {  	[smem:$0x3FB4] =	sst s6  }
0xf: {  	[smem:$0x3FB5] =	sst s7  }
0x10: {  	[smem:$0x3FB6] =	sst s8  }
0x11: {  	[smem:$0x3FB7] =	sst s9;
	s0 =	simm.s32 @!p0 $0x0  }
0x12: {  	s1 =	sld [smem:$0x3F9D];
	s0 =	simm.s32 @p0 $0x1  }
0x13: {  	[smem:$0x3FB8] =	sst s0;
	s0 =	simm.s32 @!p1 $0x0  }
0x14: {  	s2 =	sld [smem:$0x3F9C];
	s0 =	simm.s32 @p1 $0x1  }
0x15: {  	[smem:$0x3FB9] =	sst s0;
	s0 =	simm.s32 @!p2 $0x0  }
0x16: {  	s3 =	sld [smem:$0x3FDB];
	s0 =	simm.s32 @p2 $0x1  }
0x17: {  	s4 =	simm.s32 $0x1BF5;
	[smem:$0x3FBB] =	sst s0  }
0x18: {  	s0 =	sld [smem:$0x3F9E];
	_ =	swait.ge [sflag:s4], $0x0  }
0x19: {  	s7 =	sld [smem:$0x3F9F]  }
0x1a: {  	s8 =	sadd.s32 $0xFFFFE003, lr  }
0x1b: {  	s9 =	sadd.s32 $0xFFFFFEF7, lr;
	s5 =	simm.s32 $0xFFFFFFFF;
	p2 =	slt.u32 s8, $0xFFFFF086  }
0x1c: {  	p1 =	slt.u32 s9, $0xF7A;
	s5 =	simm.s32 @!p2 $0x0  }
0x1d: {  	s5 =	simm.s32 @p1 $0x1;
	p0 =	seq.s32 s7, s2  }
0x1e: {  	s7 =	smul.u32 @!p0 $0xF7A, s2;
	p2 =	seq.s32 @!p0 s5, $0x0  }
0x1f: {  	s9 =	smul.u32 $0xF7A, s1;
	s8 =	simm.s32 @!p0 $0x1BF5;
	p2 =	por !p2, p0  }
0x20: {  	[sflag:s8] =	ssyncset.s32 @!p0 $0xFFFFF086;
	s6 =	sadd.s32 @!p0 s3, s7;
	s7 =	simm.s32 @!p0 $0x108  }
0x21: {  	s3 =	sadd.s32 s3, s9;
	s6 =	sadd.s32 @!p0 $0x88, s6;
	s7 =	simm.s32 @p2 $0x1082  }
0x22: {  	[simem:s7], [sflag:s8] =	dma.local @!p0 [hbm:s6], $0xF7A  }
0x23: {  	s9 =	sor.u32 $0xD0000000, s2;
	s6 =	simm.s32 $0x108;
	_ =	swait.ge @!p0 [sflag:s8], $0x0  }
0x24: {  	s3 =	sadd.s32 $0x88, s3;
	s6 =	simm.s32 @!p1 $0x1082;
	[sflag:s4] =	ssyncset.s32 $0xFFFFF086  }
0x25: {  	[simem:s6], [sflag:s4] =	dma.local [hbm:s3], $0xF7A  }
0x26: {  	[smem:$0x3F9F] =	sst s1;
	(tag) =	ssettag s2;
	_ =	strace s9  }
0x27: {  	s1 =	sld [smem:$0x3FAF]  }
0x28: {  	s2 =	sld [smem:$0x3FB0]  }
0x29: {  	s4 =	sld [smem:$0x3FB2]  }
0x2a: {  	p0 =	seq.s32 s5, $0x0;
	s5 =	sld [smem:$0x3FB3]  }
0x2b: {  	s6 =	sld [smem:$0x3FB4]  }
0x2c: {  	s7 =	sld [smem:$0x3FB5]  }
0x2d: {  	s3 =	simm.s32 $0x108;
	s8 =	sld [smem:$0x3FB6]  }
0x2e: {  	s3 =	simm.s32 @!p0 $0x1082;
	s9 =	sld [smem:$0x3FB7]  }
0x2f: {  	lr =	sadd.s32 s0, s3;
	s0 =	sld [smem:$0x3FAE]  }
0x30: {  	s3 =	sld [smem:$0x3FB1]  }
0x31: {  	[smem:$0x3FBA] =	sst s10  }
0x32: {  	s10 =	sld [smem:$0x3FB8];
	_ =	sdelay $0x3  }
0x33: {  	p0 =	seq.s32 s10, $0x1;
	s10 =	sld [smem:$0x3FBA];
	_ =	sdelay $0x3  }
0x34: {  	[smem:$0x3FBA] =	sst s10  }
0x35: {  	s10 =	sld [smem:$0x3FB9];
	_ =	sdelay $0x3  }
0x36: {  	p1 =	seq.s32 s10, $0x1;
	s10 =	sld [smem:$0x3FBA];
	_ =	sdelay $0x3  }
0x37: {  	[smem:$0x3FBA] =	sst s10  }
0x38: {  	s10 =	sld [smem:$0x3FBB]  }
0x39: {  	_ = 	snop;
	(pc) =	sbr.ind lr, $3  }
0x3a: {  	_ = 	snop  }
0x3b: {  	_ = 	snop  }
0x3c: {  	p2 =	seq.s32 s10, $0x1;
	s10 =	sld [smem:$0x3FBA]  }
0x3d: {  	_ =	shalt  }
0x3e: {  	_ =	shalt  }
0x3f: {  	_ =	shalt  }
0x40: {  	_ =	shalt  }
0x41: {  	_ =	shalt  }
0x42: {  	_ =	shalt  }
0x43: {  	_ =	shalt  }
0x44: {  	_ =	shalt  }
0x45: {  	_ =	shalt  }
0x46: {  	_ =	shalt  }
0x47: {  	_ =	shalt  }
0x48: {  	_ =	shalt  }
0x49: {  	_ =	shalt  }
0x4a: {  	_ =	shalt  }
0x4b: {  	_ =	shalt  }
0x4c: {  	_ =	shalt  }
0x4d: {  	_ =	shalt  }
0x4e: {  	_ =	shalt  }
0x4f: {  	_ =	shalt  }
0x50: {  	_ =	shalt  }
0x51: {  	_ =	shalt  }
0x52: {  	_ =	shalt  }
0x53: {  	_ =	shalt  }
0x54: {  	_ =	shalt  }
0x55: {  	_ =	shalt  }
0x56: {  	_ =	shalt  }
0x57: {  	_ =	shalt  }
0x58: {  	_ =	shalt  }
0x59: {  	_ =	shalt  }
0x5a: {  	_ =	shalt  }
0x5b: {  	_ =	shalt  }
0x5c: {  	_ =	shalt  }
0x5d: {  	_ =	shalt  }
0x5e: {  	_ =	shalt  }
0x5f: {  	_ =	shalt  }
0x60: {  	_ =	shalt  }
0x61: {  	_ =	shalt  }
0x62: {  	_ =	shalt  }
0x63: {  	_ =	shalt  }
0x64: {  	_ =	shalt  }
0x65: {  	_ =	shalt  }
0x66: {  	_ =	shalt  }
0x67: {  	_ =	shalt  }
0x68: {  	_ =	shalt  }
0x69: {  	_ =	shalt  }
0x6a: {  	_ =	shalt  }
0x6b: {  	_ =	shalt  }
0x6c: {  	_ =	shalt  }
0x6d: {  	_ =	shalt  }
0x6e: {  	_ =	shalt  }
0x6f: {  	_ =	shalt  }
0x70: {  	_ =	shalt  }
0x71: {  	_ =	shalt  }
0x72: {  	_ =	shalt  }
0x73: {  	_ =	shalt  }
0x74: {  	_ =	shalt  }
0x75: {  	_ =	shalt  }
0x76: {  	_ =	shalt  }
0x77: {  	_ =	shalt  }
0x78: {  	_ =	shalt  }
0x79: {  	_ =	shalt  }
0x7a: {  	_ =	shalt  }
0x7b: {  	_ =	shalt  }
0x7c: {  	_ =	shalt  }
0x7d: {  	_ =	shalt  }
0x7e: {  	_ =	shalt  }
0x7f: {  	_ =	shalt  }
0x80: {  	_ =	shalt  }
0x81: {  	_ =	shalt  }
0x82: {  	_ =	shalt  }
0x83: {  	_ =	shalt  }
0x84: {  	_ =	shalt  }
0x85: {  	_ =	shalt  }
0x86: {  	_ =	shalt  }
0x87: {  	_ =	shalt  }
.Lfunc_end0:
.L_simem_size_0:
called_computation_lowered:
.L_overlay_start_0:
0x88: {  	s2 =	sld [smem:$0x3FD9]  }
0x89: {  	s3 =	sld [smem:$0x3FFE];
	_ =	sdelay $0x1  }
0x8a: {  	s1 =	srdreg.scid  }
0x8b: {  	s0 =	sand.u32 $0x1, s1  }
0x8c: {  	s14 =	sshll.u32 s0, $0xA;
	s2 =	sadd.s32 s3, s2  }
0x8d: {  	s2 =	sadd.s32 s2, s14  }
0x8e: {  	[smem:$0x3FC6] =	sst s2  }
0x8f: {  	_ = 	snop  }
0x90: {  	s2 =	sld [smem:$0x3FD0];
	_ =	sdelay $0x2  }
0x91: {  	s15 =	simm.s32 $0xA;
	s4 =	simm.s32 $0x10  }
0x92: {  	[smem:s4], [sflag:s15] =	dma.local [hbm:s2], $0x1  }
0x93: {  	_ =	swait.eq [sflag:s15], $0x1  }
0x94: {  	[sflag:s15] =	ssyncset.done $0x0  }
0x95: {  	[sflag:s15] =	ssyncadd.s32 $0xFFFFFFFF  }
0x96: {  	s16 =	sld [smem:$0x11];
	(tm) =	ssettm $0x1  }
0x97: {  	s17 =	sld [smem:$0x3FFB];
	_ =	sdelay $0x3  }
0x98: {  	_ =	strace s17  }
0x99: {  	s3 =	sld [smem:$0x3FFC];
	_ =	sdelay $0x3  }
0x9a: {  	_ =	strace s3  }
0x9b: {  	s3 =	sld [smem:$0x3FFD];
	_ =	sdelay $0x3  }
0x9c: {  	_ =	strace s3  }
0x9d: {  	_ =	strace $0x8FFFFFFF  }
0x9e: {  	s18 =	sld [smem:$0x3FDB];
	_ =	sdelay $0x1  }
0x9f: {  	s19 =	simm.s32 $_scs_section_size  }
0xa0: {  	s5 =	simm.s32 $_size__tile_overlayer_lowered;
	s6 =	simm.s32 $_tile_overlayer_lowered  }
0xa1: {  	s22 =	simm.s32 $0x1BFF;
	s21 =	sshll.u32 s6, $0x1;
	s3 =	sadd.s32 s19, s18  }
0xa2: {  	s7 =	simm.s32 $0x0;
	s20 =	sshll.u32 s5, $0x1;
	s5 =	sadd.s32 s21, s3  }
0xa3: {  	[timem:s7], [sflag:s22] =	dma.local [hbm:s5], s20  }
0xa4: {  	_ =	swait.ge [sflag:s22], s20  }
0xa5: {  	s4 =	ssub.s32 $0x0, s20;
	[sflag:s22] =	ssyncset.done $0x0  }
0xa6: {  	[sflag:s22] =	ssyncadd.s32 s4;
	_ =	sdelay $0x1  }
0xa7: {  	s23 =	simm.s32 $0x1B8B  }
0xa8: {  	_ =	swait.ge [sflag:s23], $0x1  }
0xa9: {  	[sflag:s23] =	ssyncset.done $0x0  }
0xaa: {  	s25 =	simm.s32 $0x1B8E;
	s24 =	sld [smem:$0x3FFE];
	[sflag:s23] =	ssyncadd.s32 $0xFFFFFFFF  }
0xab: {  	s26 =	simm.s32 $execute0_lowered;
	[smem:$0x3FD2] =	sst s25  }
0xac: {  	s5 =	sshll.u32 s26, $0x1;
	_ =	strace $0x80000046;
	[dreg:$0x1] =	wrdreg $0xFFFFFFFF  }
0xad: {  	s28 =	simm.s32 $_size_execute0_lowered;
	s3 =	sadd.s32 s3, s5;
	[dreg:$0x0] =	wrdreg $0x0  }
0xae: {  	s5 =	sshll.u32 s28, $0x1;
	[dreg:$0x2] =	wrdreg s3  }
0xaf: {  	[dreg:$0x3] =	wrdreg s5  }
0xb0: {  	[dreg:$0x4] =	wrdreg $0xC0  }
0xb1: {  	_ =	task [dreg:s7], $0x5FFFF  }
0xb2: {  	[dreg:$0x1] =	wrdreg $0xFFFFFFFF  }
0xb3: {  	[dreg:$0x0] =	wrdreg $0x60  }
0xb4: {  	[dreg:$0x2] =	wrdreg s24  }
0xb5: {  	[dreg:$0x3] =	wrdreg s16  }
0xb6: {  	[dreg:$0x4] =	wrdreg $0x1800  }
0xb7: {  	[dreg:$0x5] =	wrdreg $0x2C00  }
0xb8: {  	[dreg:$0x6] =	wrdreg $0x9  }
0xb9: {  	_ =	task.clear_ibuf [dreg:s7], $0x7FFFF;
	_ =	strace $0x90000046  }
0xba: {  	s29 =	simm.s32 $0x9;
	_ =	strace $0x80000048  }
0xbb: {  	_ =	swait.ge [sflag:s29], $0x1  }
0xbc: {  	[sflag:s29] =	ssyncadd.s32 $0xFFFFFFFF  }
0xbd: {  	_ =	strace $0x90000048  }
0xbe: {  	_ =	sfence  }
0xbf: {  	s30 =	sld [smem:$0x0];
	_ =	sdelay $0x2  }
0xc0: {  	s31 =	sshll.u32 s1, $0xD;
	s1 =	sshrl.u32 s1, $0x2  }
0xc1: {  	s3 =	sand.u32 $0x4000, s31;
	s1 =	sadd.s32 s1, s30  }
0xc2: {  	s0 =	sor.u32 s3, s0;
	s1 =	sshll.u32 s1, $0x11  }
0xc3: {  	s0 =	sor.u32 s1, s0  }
0xc4: {  	s0 =	sadd.s32 $0x8F2B, s0  }
0xc5: {  	[sflag:s0] =	ssyncadd.remote.s32 $0x1  }
0xc6: {  	_ =	sfence.sel $0xFFFF  }
0xc7: {  	[dreg:$0x0] =	wrdreg $0xFFFFFFFF;
	(pc) =	sbr.abs _section_cstart, $3  }
0xc8: {  	[dreg:$0x1] =	wrdreg $0xFFFFFFFF  }
0xc9: {  	_ =	task.clear_ibuf [dreg:s7], $0x2FFFF;
	_ =	strace $0x9FFFFFFF  }
0xca: {  	(tm) =	ssettm $0x7FFFFFFF  }
0xcb: {  	_ =	shalt  }
tec
execute0_lowered:
.L_overlay_start_1:
0x0: {  	(tag) =	ssettag $0x1  }
0x1: {  	s1 =	srdreg.scid  }
0x2: {  	s1 =	sand.u32 $0x1, s1  }
0x3: {  	s2 =	rddreg [dreg:$0x0];
	p0 =	seq.s32 s1, $0x1  }
.Ltmp0:
0x4: {  	s5 =	rddreg [dreg:$0x1];
	(pc) =	sbr.rel @p0 .LBB2_6-.Ltmp0, $4  }
0x5: {  	s3 =	rddreg [dreg:$0x2]  }
0x6: {  	s4 =	rddreg [dreg:$0x3];
	s6 =	simm.s32 $0x0  }
0x7: {  	[smem:$0x7FF] =	sst s6  }
0x8: {  	s0 =	rddreg [dreg:$0x4];
	_ =	strace $0x80000047;
	s1 =	stileid.u32  }
0x9: {  	s7 =	sadd.s32 $0x2400, s2;
	s8 =	sshll.u32 s1, $0x4  }
0xa: {  	s26 =	simm.s32 $0x1;
	s9 =	sadd.s32 s7, s8  }
0xb: {  	[tilespmem:s6], [sflag:$0x1] =	stream.linear.gather [hbm4b:s9+s6], $0x80, $0x38;
	[tilespmem:$0x400] =	vst v63  }
0xc: {  	_ =	swait.ge [sflag:s26], $0x80  }
0xd: {  	s10 =	sadd.s32 $0x2800, s2;
	[sflag:s26] =	ssyncset.done $0x0  }
0xe: {  	s12 =	simm.s32 $0x80;
	s11 =	sadd.s32 s10, s8;
	[sflag:s26] =	ssyncadd.s32 $0xFFFFFF80  }
0xf: {  	[tilespmem:s12], [sflag:$0x1] =	stream.linear.gather [hbm4b:s11+s6], $0x80, $0x38;
	[tilespmem:$0x400] =	vst v63  }
0x10: {  	_ =	swait.ge [sflag:s26], $0x80  }
0x11: {  	[sflag:s26] =	ssyncset.done $0x0  }
0x12: {  	s13 =	simm.s32 $0x100;
	s28 =	sadd.s32 s5, s8;
	[sflag:s26] =	ssyncadd.s32 $0xFFFFFF80  }
0x13: {  	[tilespmem:s13], [sflag:$0x1] =	stream.linear.gather [hbm4b:s28+s6], $0x80, $0x38;
	[tilespmem:$0x400] =	vst v63  }
0x14: {  	_ =	swait.ge [sflag:s26], $0x80  }
0x15: {  	[sflag:s26] =	ssyncset.done $0x0  }
0x16: {  	[sflag:s26] =	ssyncadd.s32 $0xFFFFFF80  }
0x17: {  	[spmem:s3] =	stream.indirect.scatter [tilespmem:s12], [sflag:$0x1], $0x1, s6, s12, $0xb8;
	[tilespmem:$0x400] =	vst v63  }
0x18: {  	_ =	swait.ge [sflag:s26], $0x80  }
0x19: {  	[sflag:s26] =	ssyncset.done $0x0  }
0x1a: {  	[sflag:s26] =	ssyncadd.s32 $0xFFFFFF80  }
0x1b: {  	[spmem:s4] =	stream.indirect.scatter [tilespmem:s13], [sflag:$0x1], $0x1, s6, s12, $0xb8;
	[tilespmem:$0x400] =	vst v63  }
0x1c: {  	_ =	swait.ge [sflag:s26], $0x80  }
0x1d: {  	s29 =	sor.u32 $0x100, s8;
	[sflag:s26] =	ssyncset.done $0x0  }
0x1e: {  	s14 =	sadd.s32 s7, s29;
	[sflag:s26] =	ssyncadd.s32 $0xFFFFFF80  }
0x1f: {  	[tilespmem:s6], [sflag:$0x1] =	stream.linear.gather [hbm4b:s14+s6], $0x80, $0x38;
	[tilespmem:$0x400] =	vst v63  }
0x20: {  	_ =	swait.ge [sflag:s26], $0x80  }
0x21: {  	[sflag:s26] =	ssyncset.done $0x0  }
0x22: {  	s30 =	sadd.s32 s10, s29;
	[sflag:s26] =	ssyncadd.s32 $0xFFFFFF80  }
0x23: {  	[tilespmem:s12], [sflag:$0x1] =	stream.linear.gather [hbm4b:s30+s6], $0x80, $0x38;
	[tilespmem:$0x400] =	vst v63  }
0x24: {  	_ =	swait.ge [sflag:s26], $0x80  }
0x25: {  	[sflag:s26] =	ssyncset.done $0x0  }
0x26: {  	s11 =	sadd.s32 s5, s29;
	[sflag:s26] =	ssyncadd.s32 $0xFFFFFF80  }
0x27: {  	[tilespmem:s13], [sflag:$0x1] =	stream.linear.gather [hbm4b:s11+s6], $0x80, $0x38;
	[tilespmem:$0x400] =	vst v63  }
0x28: {  	_ =	swait.ge [sflag:s26], $0x80  }
0x29: {  	[sflag:s26] =	ssyncset.done $0x0  }
0x2a: {  	[sflag:s26] =	ssyncadd.s32 $0xFFFFFF80  }
0x2b: {  	[spmem:s3] =	stream.indirect.scatter [tilespmem:s12], [sflag:$0x1], $0x1, s6, s12, $0xb8;
	[tilespmem:$0x400] =	vst v63  }
0x2c: {  	_ =	swait.ge [sflag:s26], $0x80  }
0x2d: {  	[sflag:s26] =	ssyncset.done $0x0  }
0x2e: {  	[sflag:s26] =	ssyncadd.s32 $0xFFFFFF80  }
0x2f: {  	[spmem:s4] =	stream.indirect.scatter [tilespmem:s13], [sflag:$0x1], $0x1, s6, s12, $0xb8;
	[tilespmem:$0x400] =	vst v63  }
0x30: {  	_ =	swait.ge [sflag:s26], $0x80  }
0x31: {  	p0 =	sgt.u32 s1, $0x7;
	s31 =	sor.u32 $0x200, s8;
	[sflag:s26] =	ssyncset.done $0x0  }
0x32: {  	s8 =	simm.s32 @!p0 $0x0;
	s7 =	sadd.s32 s7, s31;
	[sflag:s26] =	ssyncadd.s32 $0xFFFFFF80  }
0x33: {  	[tilespmem:s8], [sflag:$0x1] =	stream.linear.gather @!p0 [hbm4b:s7+s8], $0x80, $0x38;
	[tilespmem:$0x400] =	vst v63  }
0x34: {  	s7 =	simm.s32 @!p0 $0x1  }
0x35: {  	_ =	swait.ge @!p0 [sflag:s7], $0x80  }
0x36: {  	[sflag:s7] =	ssyncset.done @!p0 $0x0  }
0x37: {  	s9 =	sadd.s32 s10, s31;
	s10 =	simm.s32 @!p0 $0x80;
	[sflag:s7] =	ssyncadd.s32 @!p0 $0xFFFFFF80  }
0x38: {  	[tilespmem:s10], [sflag:$0x1] =	stream.linear.gather @!p0 [hbm4b:s9+s8], $0x80, $0x38;
	[tilespmem:$0x400] =	vst v63  }
0x39: {  	_ =	swait.ge @!p0 [sflag:s7], $0x80  }
0x3a: {  	[sflag:s7] =	ssyncset.done @!p0 $0x0  }
0x3b: {  	s5 =	sadd.s32 s5, s31;
	s6 =	simm.s32 @!p0 $0x100;
	[sflag:s7] =	ssyncadd.s32 @!p0 $0xFFFFFF80  }
0x3c: {  	[tilespmem:s6], [sflag:$0x1] =	stream.linear.gather @!p0 [hbm4b:s5+s8], $0x80, $0x38;
	[tilespmem:$0x400] =	vst v63  }
0x3d: {  	_ =	swait.ge @!p0 [sflag:s7], $0x80  }
0x3e: {  	[sflag:s7] =	ssyncset.done @!p0 $0x0  }
0x3f: {  	[sflag:s7] =	ssyncadd.s32 @!p0 $0xFFFFFF80  }
0x40: {  	[spmem:s3] =	stream.indirect.scatter @!p0 [tilespmem:s10], [sflag:$0x1], $0x1, s8, s10, $0xb8;
	[tilespmem:$0x400] =	vst v63  }
0x41: {  	_ =	swait.ge @!p0 [sflag:s7], $0x80  }
0x42: {  	[sflag:s7] =	ssyncset.done @!p0 $0x0  }
0x43: {  	[sflag:s7] =	ssyncadd.s32 @!p0 $0xFFFFFF80  }
0x44: {  	[spmem:s4] =	stream.indirect.scatter @!p0 [tilespmem:s6], [sflag:$0x1], $0x1, s8, s10, $0xb8;
	[tilespmem:$0x400] =	vst v63  }
0x45: {  	_ =	swait.ge @!p0 [sflag:s7], $0x80  }
0x46: {  	[sflag:s7] =	ssyncset.done @!p0 $0x0  }
0x47: {  	[sflag:s7] =	ssyncadd.s32 @!p0 $0xFFFFFF80;
	p0 =	seq.s32 s1, $0x1  }
.Ltmp1:
0x48: {  	_ = 	snop;
	(pc) =	sbr.rel @p0 .LBB2_4-.Ltmp1, $2  }
0x49: {  	_ =	sdelay $0x1  }
0x4a: {  	[bflag:$0x0] =	sbarrier.arrive $0xFFFF;
	_ =	sdelay $0x1  }
0x4b: {  	p0 =	sne.s32 s1, $0x0  }
.Ltmp2:
0x4c: {  	_ = 	snop;
	(pc) =	sbr.rel @p0 .LBB2_6-.Ltmp2, $1  }
0x4d: {  	_ =	sdelay $0x3  }
.Ltmp3:
0x4e: {  	(pc) =	sbr.rel .LBB2_5-.Ltmp3, $3  }
0x4f: {  	_ =	sdelay $0x1  }
0x50: {  	s2 =	sadd.s32 $0x2C00, s2;
	s3 =	sshrl.u32 s3, $0x3;
	s4 =	simm.s32 $0x1C01  }
0x51: {  	[hbm:s2], [sflag:s4] =	dma.local [spmem:s3], $0x280  }
.LBB2_4:
0x52: {  	s2 =	sadd.s32 $0x3000, s2;
	s3 =	sshrl.u32 s4, $0x3;
	s31 =	simm.s32 $0x1C41  }
0x53: {  	[hbm:s2], [sflag:s31] =	dma.local [spmem:s3], $0x280  }
.LBB2_5:
0x54: {  	s2 =	simm.s32 $0x1  }
0x55: {  	_ =	swait.ge [sflag:s2], $0x280  }
0x56: {  	[sflag:s2] =	ssyncset.done $0x0  }
0x57: {  	[sflag:s2] =	ssyncadd.s32 $0xFFFFFD80  }
.LBB2_6:
0x58: {  	_ =	sfence.sel $0x180000  }
0x59: {  	[bflag:$0x0] =	sbarrier.arrive $0xFFFF  }
0x5a: {  	p0 =	sne.s32 s1, $0x0;
	_ =	strace $0x90000047  }
0x5b: {  	s0 =	sadd.s32 @!p0 $0x100000, s0;
	[bflag:$0x2] =	sbarrier.arrive $0xFFFF  }
0x5c: {  	[sflag:s0] =	ssyncadd.tile.s32 @!p0 $0x1;
	_ =	shalt  }
.Lfunc_end2:
_tile_overlayer_lowered:
.L_overlay_start_2:
0x5d: {  	(tag) =	ssettag $0x2  }
0x5e: {  	s0 =	rddreg [dreg:$0x0];
	s2 =	stileid.u32  }
0x5f: {  	s1 =	rddreg [dreg:$0x1];
	p0 =	sne.s32 s2, $0x0  }
0x60: {  	s3 =	rddreg [dreg:$0x2];
	[bflag:$0x3] =	sbarrier.arrive $0xFFFF;
	s2 =	simm.s32 @!p0 $0x1C01  }
0x61: {  	[timem:s3], [sflag:s2] =	dma.local @!p0 [hbm:s0], s1  }
0x62: {  	s0 =	simm.s32 @!p0 $0x1  }
0x63: {  	_ =	swait.ge @!p0 [sflag:s0], s1  }
0x64: {  	s1 =	ssub.s32 @!p0 $0x0, s1;
	[sflag:s0] =	ssyncset.done @!p0 $0x0  }
0x65: {  	[sflag:s0] =	ssyncadd.s32 @!p0 s1  }
0x66: {  	[bflag:$0x3] =	sbarrier.arrive $0xFFFF  }
0x67: {  	_ =	shalt  }

// kernel: kernel.9.cloned.1.call-start
scs
__scs_entry_jumppad:
0x0: {  	(pc) =	sbr.rel $0x88, $3  }
0x1: {  	(tag) =	ssettag $0x0;
	lr =	simm.s32 $0x1  }
0x2: {  	[smem:$0x3F9F] =	sst lr;
	_ =	strace $0xD0000000  }
0x3: {  	_ = 	snop  }
0x4: {  	_ = 	snop  }
0x5: {  	_ = 	snop  }
0x6: {  	_ = 	snop  }
0x7: {  	_ = 	snop  }
__scs_overlays_trampoline_lowered:
0x8: {  	[smem:$0x3FAE] =	sst s0  }
0x9: {  	[smem:$0x3FAF] =	sst s1  }
0xa: {  	[smem:$0x3FB0] =	sst s2  }
0xb: {  	[smem:$0x3FB1] =	sst s3  }
0xc: {  	[smem:$0x3FB2] =	sst s4  }
0xd: {  	[smem:$0x3FB3] =	sst s5  }
0xe: {  	[smem:$0x3FB4] =	sst s6  }
0xf: {  	[smem:$0x3FB5] =	sst s7  }
0x10: {  	[smem:$0x3FB6] =	sst s8  }
0x11: {  	[smem:$0x3FB7] =	sst s9;
	s0 =	simm.s32 @!p0 $0x0  }
0x12: {  	s1 =	sld [smem:$0x3F9D];
	s0 =	simm.s32 @p0 $0x1  }
0x13: {  	[smem:$0x3FB8] =	sst s0;
	s0 =	simm.s32 @!p1 $0x0  }
0x14: {  	s2 =	sld [smem:$0x3F9C];
	s0 =	simm.s32 @p1 $0x1  }
0x15: {  	[smem:$0x3FB9] =	sst s0;
	s0 =	simm.s32 @!p2 $0x0  }
0x16: {  	s3 =	sld [smem:$0x3FDB];
	s0 =	simm.s32 @p2 $0x1  }
0x17: {  	s4 =	simm.s32 $0x1BF5;
	[smem:$0x3FBB] =	sst s0  }
0x18: {  	s0 =	sld [smem:$0x3F9E];
	_ =	swait.ge [sflag:s4], $0x0  }
0x19: {  	s7 =	sld [smem:$0x3F9F]  }
0x1a: {  	s8 =	sadd.s32 $0xFFFFE003, lr  }
0x1b: {  	s9 =	sadd.s32 $0xFFFFFEF7, lr;
	s5 =	simm.s32 $0xFFFFFFFF;
	p2 =	slt.u32 s8, $0xFFFFF086  }
0x1c: {  	p1 =	slt.u32 s9, $0xF7A;
	s5 =	simm.s32 @!p2 $0x0  }
0x1d: {  	s5 =	simm.s32 @p1 $0x1;
	p0 =	seq.s32 s7, s2  }
0x1e: {  	s7 =	smul.u32 @!p0 $0xF7A, s2;
	p2 =	seq.s32 @!p0 s5, $0x0  }
0x1f: {  	s9 =	smul.u32 $0xF7A, s1;
	s8 =	simm.s32 @!p0 $0x1BF5;
	p2 =	por !p2, p0  }
0x20: {  	[sflag:s8] =	ssyncset.s32 @!p0 $0xFFFFF086;
	s6 =	sadd.s32 @!p0 s3, s7;
	s7 =	simm.s32 @!p0 $0x108  }
0x21: {  	s3 =	sadd.s32 s3, s9;
	s6 =	sadd.s32 @!p0 $0x88, s6;
	s7 =	simm.s32 @p2 $0x1082  }
0x22: {  	[simem:s7], [sflag:s8] =	dma.local @!p0 [hbm:s6], $0xF7A  }
0x23: {  	s9 =	sor.u32 $0xD0000000, s2;
	s6 =	simm.s32 $0x108;
	_ =	swait.ge @!p0 [sflag:s8], $0x0  }
0x24: {  	s3 =	sadd.s32 $0x88, s3;
	s6 =	simm.s32 @!p1 $0x1082;
	[sflag:s4] =	ssyncset.s32 $0xFFFFF086  }
0x25: {  	[simem:s6], [sflag:s4] =	dma.local [hbm:s3], $0xF7A  }
0x26: {  	[smem:$0x3F9F] =	sst s1;
	(tag) =	ssettag s2;
	_ =	strace s9  }
0x27: {  	s1 =	sld [smem:$0x3FAF]  }
0x28: {  	s2 =	sld [smem:$0x3FB0]  }
0x29: {  	s4 =	sld [smem:$0x3FB2]  }
0x2a: {  	p0 =	seq.s32 s5, $0x0;
	s5 =	sld [smem:$0x3FB3]  }
0x2b: {  	s6 =	sld [smem:$0x3FB4]  }
0x2c: {  	s7 =	sld [smem:$0x3FB5]  }
0x2d: {  	s3 =	simm.s32 $0x108;
	s8 =	sld [smem:$0x3FB6]  }
0x2e: {  	s3 =	simm.s32 @!p0 $0x1082;
	s9 =	sld [smem:$0x3FB7]  }
0x2f: {  	lr =	sadd.s32 s0, s3;
	s0 =	sld [smem:$0x3FAE]  }
0x30: {  	s3 =	sld [smem:$0x3FB1]  }
0x31: {  	[smem:$0x3FBA] =	sst s10  }
0x32: {  	s10 =	sld [smem:$0x3FB8];
	_ =	sdelay $0x3  }
0x33: {  	p0 =	seq.s32 s10, $0x1;
	s10 =	sld [smem:$0x3FBA];
	_ =	sdelay $0x3  }
0x34: {  	[smem:$0x3FBA] =	sst s10  }
0x35: {  	s10 =	sld [smem:$0x3FB9];
	_ =	sdelay $0x3  }
0x36: {  	p1 =	seq.s32 s10, $0x1;
	s10 =	sld [smem:$0x3FBA];
	_ =	sdelay $0x3  }
0x37: {  	[smem:$0x3FBA] =	sst s10  }
0x38: {  	s10 =	sld [smem:$0x3FBB]  }
0x39: {  	_ = 	snop;
	(pc) =	sbr.ind lr, $3  }
0x3a: {  	_ = 	snop  }
0x3b: {  	_ = 	snop  }
0x3c: {  	p2 =	seq.s32 s10, $0x1;
	s10 =	sld [smem:$0x3FBA]  }
0x3d: {  	_ =	shalt  }
0x3e: {  	_ =	shalt  }
0x3f: {  	_ =	shalt  }
0x40: {  	_ =	shalt  }
0x41: {  	_ =	shalt  }
0x42: {  	_ =	shalt  }
0x43: {  	_ =	shalt  }
0x44: {  	_ =	shalt  }
0x45: {  	_ =	shalt  }
0x46: {  	_ =	shalt  }
0x47: {  	_ =	shalt  }
0x48: {  	_ =	shalt  }
0x49: {  	_ =	shalt  }
0x4a: {  	_ =	shalt  }
0x4b: {  	_ =	shalt  }
0x4c: {  	_ =	shalt  }
0x4d: {  	_ =	shalt  }
0x4e: {  	_ =	shalt  }
0x4f: {  	_ =	shalt  }
0x50: {  	_ =	shalt  }
0x51: {  	_ =	shalt  }
0x52: {  	_ =	shalt  }
0x53: {  	_ =	shalt  }
0x54: {  	_ =	shalt  }
0x55: {  	_ =	shalt  }
0x56: {  	_ =	shalt  }
0x57: {  	_ =	shalt  }
0x58: {  	_ =	shalt  }
0x59: {  	_ =	shalt  }
0x5a: {  	_ =	shalt  }
0x5b: {  	_ =	shalt  }
0x5c: {  	_ =	shalt  }
0x5d: {  	_ =	shalt  }
0x5e: {  	_ =	shalt  }
0x5f: {  	_ =	shalt  }
0x60: {  	_ =	shalt  }
0x61: {  	_ =	shalt  }
0x62: {  	_ =	shalt  }
0x63: {  	_ =	shalt  }
0x64: {  	_ =	shalt  }
0x65: {  	_ =	shalt  }
0x66: {  	_ =	shalt  }
0x67: {  	_ =	shalt  }
0x68: {  	_ =	shalt  }
0x69: {  	_ =	shalt  }
0x6a: {  	_ =	shalt  }
0x6b: {  	_ =	shalt  }
0x6c: {  	_ =	shalt  }
0x6d: {  	_ =	shalt  }
0x6e: {  	_ =	shalt  }
0x6f: {  	_ =	shalt  }
0x70: {  	_ =	shalt  }
0x71: {  	_ =	shalt  }
0x72: {  	_ =	shalt  }
0x73: {  	_ =	shalt  }
0x74: {  	_ =	shalt  }
0x75: {  	_ =	shalt  }
0x76: {  	_ =	shalt  }
0x77: {  	_ =	shalt  }
0x78: {  	_ =	shalt  }
0x79: {  	_ =	shalt  }
0x7a: {  	_ =	shalt  }
0x7b: {  	_ =	shalt  }
0x7c: {  	_ =	shalt  }
0x7d: {  	_ =	shalt  }
0x7e: {  	_ =	shalt  }
0x7f: {  	_ =	shalt  }
0x80: {  	_ =	shalt  }
0x81: {  	_ =	shalt  }
0x82: {  	_ =	shalt  }
0x83: {  	_ =	shalt  }
0x84: {  	_ =	shalt  }
0x85: {  	_ =	shalt  }
0x86: {  	_ =	shalt  }
0x87: {  	_ =	shalt  }
.Lfunc_end0:
.L_simem_size_0:
called_computation.1_lowered:
.L_overlay_start_0:
0x88: {  	s2 =	sld [smem:$0x3FD9]  }
0x89: {  	s3 =	sld [smem:$0x3FFE];
	_ =	sdelay $0x1  }
0x8a: {  	s1 =	srdreg.scid  }
0x8b: {  	s0 =	sand.u32 $0x1, s1  }
0x8c: {  	s14 =	sshll.u32 s0, $0xA;
	s2 =	sadd.s32 s3, s2  }
0x8d: {  	s2 =	sadd.s32 s2, s14  }
0x8e: {  	[smem:$0x3FC6] =	sst s2  }
0x8f: {  	_ = 	snop  }
0x90: {  	s2 =	sld [smem:$0x3FD0];
	_ =	sdelay $0x2  }
0x91: {  	s15 =	simm.s32 $0xA;
	s4 =	simm.s32 $0x10  }
0x92: {  	[smem:s4], [sflag:s15] =	dma.local [hbm:s2], $0x1  }
0x93: {  	_ =	swait.eq [sflag:s15], $0x1  }
0x94: {  	[sflag:s15] =	ssyncset.done $0x0  }
0x95: {  	[sflag:s15] =	ssyncadd.s32 $0xFFFFFFFF  }
0x96: {  	s16 =	sld [smem:$0x11];
	(tm) =	ssettm $0x1  }
0x97: {  	s17 =	sld [smem:$0x3FFB];
	_ =	sdelay $0x3  }
0x98: {  	_ =	strace s17  }
0x99: {  	s3 =	sld [smem:$0x3FFC];
	_ =	sdelay $0x3  }
0x9a: {  	_ =	strace s3  }
0x9b: {  	s3 =	sld [smem:$0x3FFD];
	_ =	sdelay $0x3  }
0x9c: {  	_ =	strace s3  }
0x9d: {  	_ =	strace $0x8FFFFFFF  }
0x9e: {  	s18 =	sld [smem:$0x3FDB];
	_ =	sdelay $0x1  }
0x9f: {  	s19 =	simm.s32 $_scs_section_size  }
0xa0: {  	s5 =	simm.s32 $_size__tile_overlayer_lowered;
	s6 =	simm.s32 $_tile_overlayer_lowered  }
0xa1: {  	s22 =	simm.s32 $0x1BFF;
	s21 =	sshll.u32 s6, $0x1;
	s3 =	sadd.s32 s19, s18  }
0xa2: {  	s7 =	simm.s32 $0x0;
	s20 =	sshll.u32 s5, $0x1;
	s5 =	sadd.s32 s21, s3  }
0xa3: {  	[timem:s7], [sflag:s22] =	dma.local [hbm:s5], s20  }
0xa4: {  	_ =	swait.ge [sflag:s22], s20  }
0xa5: {  	s4 =	ssub.s32 $0x0, s20;
	[sflag:s22] =	ssyncset.done $0x0  }
0xa6: {  	[sflag:s22] =	ssyncadd.s32 s4;
	_ =	sdelay $0x1  }
0xa7: {  	s23 =	simm.s32 $0x1B8B  }
0xa8: {  	_ =	swait.ge [sflag:s23], $0x1  }
0xa9: {  	[sflag:s23] =	ssyncset.done $0x0  }
0xaa: {  	s25 =	simm.s32 $0x1B8E;
	s24 =	sld [smem:$0x3FFE];
	[sflag:s23] =	ssyncadd.s32 $0xFFFFFFFF  }
0xab: {  	s26 =	simm.s32 $execute0_lowered;
	[smem:$0x3FD2] =	sst s25  }
0xac: {  	s5 =	sshll.u32 s26, $0x1;
	_ =	strace $0x80000049;
	[dreg:$0x1] =	wrdreg $0xFFFFFFFF  }
0xad: {  	s28 =	simm.s32 $_size_execute0_lowered;
	s3 =	sadd.s32 s3, s5;
	[dreg:$0x0] =	wrdreg $0x0  }
0xae: {  	s5 =	sshll.u32 s28, $0x1;
	[dreg:$0x2] =	wrdreg s3  }
0xaf: {  	[dreg:$0x3] =	wrdreg s5  }
0xb0: {  	[dreg:$0x4] =	wrdreg $0xC0  }
0xb1: {  	_ =	task [dreg:s7], $0x5FFFF  }
0xb2: {  	[dreg:$0x1] =	wrdreg $0xFFFFFFFF  }
0xb3: {  	[dreg:$0x0] =	wrdreg $0x60  }
0xb4: {  	[dreg:$0x2] =	wrdreg s24  }
0xb5: {  	[dreg:$0x3] =	wrdreg s16  }
0xb6: {  	[dreg:$0x4] =	wrdreg $0x9  }
0xb7: {  	_ =	task.clear_ibuf [dreg:s7], $0x5FFFF;
	_ =	strace $0x90000049  }
0xb8: {  	s29 =	simm.s32 $0x9;
	_ =	strace $0x8000004B  }
0xb9: {  	_ =	swait.ge [sflag:s29], $0x1  }
0xba: {  	[sflag:s29] =	ssyncadd.s32 $0xFFFFFFFF  }
0xbb: {  	_ =	strace $0x9000004B  }
0xbc: {  	_ =	sfence  }
0xbd: {  	s30 =	sld [smem:$0x0];
	_ =	sdelay $0x2  }
0xbe: {  	s31 =	sshll.u32 s1, $0xD;
	s1 =	sshrl.u32 s1, $0x2  }
0xbf: {  	s3 =	sand.u32 $0x4000, s31;
	s1 =	sadd.s32 s1, s30  }
0xc0: {  	s0 =	sor.u32 s3, s0;
	s1 =	sshll.u32 s1, $0x11  }
0xc1: {  	s0 =	sor.u32 s1, s0  }
0xc2: {  	s0 =	sadd.s32 $0x8F2B, s0  }
0xc3: {  	[sflag:s0] =	ssyncadd.remote.s32 $0x1  }
0xc4: {  	_ =	sfence.sel $0xFFFF  }
0xc5: {  	[dreg:$0x0] =	wrdreg $0xFFFFFFFF;
	(pc) =	sbr.abs _section_cstart, $3  }
0xc6: {  	[dreg:$0x1] =	wrdreg $0xFFFFFFFF  }
0xc7: {  	_ =	task.clear_ibuf [dreg:s7], $0x2FFFF;
	_ =	strace $0x9FFFFFFF  }
0xc8: {  	(tm) =	ssettm $0x7FFFFFFF  }
0xc9: {  	_ =	shalt  }
tec
execute0_lowered:
.L_overlay_start_1:
0x0: {  	(tag) =	ssettag $0x1  }
0x1: {  	s4 =	rddreg [dreg:$0x0]  }
0x2: {  	s11 =	rddreg [dreg:$0x1]  }
0x3: {  	s0 =	rddreg [dreg:$0x2];
	s1 =	simm.s32 $0x0  }
0x4: {  	s2 =	srdreg.scid;
	s15 =	simm.s32 $0x80;
	s16 =	simm.s32 $0x180  }
0x5: {  	[smem:$0x7FF] =	sst s1;
	s8 =	sadd.s32 $0x2400, s4;
	s3 =	sadd.s32 $0x2800, s4  }
0x6: {  	s5 =	sand.u32 $0x1, s2;
	s9 =	sadd.s32 $0x2000, s4;
	s2 =	stileid.u32  }
0x7: {  	s12 =	sadd.s32 $0x2C00, s4;
	_ =	strace $0x8000004A;
	s6 =	ssub.s32 $0x2, s5  }
0x8: {  	s10 =	sshll.u32 s2, $0x5;
	s5 =	sshll.u32 s5, $0x4;
	s7 =	sshrl.u32 s6, $0x1  }
0x9: {  	p0 =	sgt.u32 s2, $0x3;
	s31 =	sor.u32 s5, s10;
	s13 =	ssub.s32 s6, s7  }
0xa: {  	s4 =	sadd.s32 s8, s31;
	s5 =	sadd.s32 s9, s31;
	s14 =	sor.u32 $0x200, s31  }
0xb: {  	s6 =	sadd.s32 s12, s31;
	s7 =	sadd.s32 s11, s31;
	s8 =	sadd.s32 s8, s14  }
0xc: {  	s9 =	sadd.s32 s9, s14;
	s10 =	sadd.s32 s12, s14;
	s11 =	sadd.s32 s11, s14  }
0xd: {  	s12 =	smax.u32 s13, $0x1;
	s13 =	simm.s32 $0x1;
	s14 =	simm.s32 $0x100  }
.LBB2_1:
0xe: {  	[tilespmem:s1], [sflag:$0x1] =	stream.linear.gather [hbm4b:s4+s1], $0x80, $0x38;
	[tilespmem:$0x200] =	vst v63  }
0xf: {  	_ =	swait.ge [sflag:s13], $0x80  }
0x10: {  	[sflag:s13] =	ssyncset.done $0x0  }
0x11: {  	[sflag:s13] =	ssyncadd.s32 $0xFFFFFF80  }
0x12: {  	[tilespmem:s14], [sflag:$0x1] =	stream.linear.gather [hbm4b:s5+s1], $0x80, $0x38;
	[tilespmem:$0x200] =	vst v63  }
0x13: {  	_ =	swait.ge [sflag:s13], $0x80  }
0x14: {  	[sflag:s13] =	ssyncset.done $0x0  }
0x15: {  	[sflag:s13] =	ssyncadd.s32 $0xFFFFFF80  }
0x16: {  	[tilespmem:s15], [sflag:$0x1] =	stream.indirect.gather [hbm4b:s3+s15], $0x1, s1, s15, $0xb8;
	[tilespmem:$0x200] =	vst v63  }
0x17: {  	_ =	swait.ge [sflag:s13], $0x80  }
0x18: {  	[sflag:s13] =	ssyncset.done $0x0  }
0x19: {  	[sflag:s13] =	ssyncadd.s32 $0xFFFFFF80  }
0x1a: {  	v0 =	vld [tilespmem:$0x100]  }
0x1b: {  	v1 =	vld [tilespmem:$0x80]  }
0x1c: {  	v2 =	vld [tilespmem:$0x110]  }
0x1d: {  	v3 =	vld [tilespmem:$0x90]  }
0x1e: {  	v4 =	vld [tilespmem:$0x120]  }
0x1f: {  	v5 =	vld [tilespmem:$0xA0]  }
0x20: {  	v6 =	vld [tilespmem:$0x130]  }
0x21: {  	v7 =	vld [tilespmem:$0xB0]  }
0x22: {  	v8 =	vld [tilespmem:$0x140]  }
0x23: {  	v9 =	vld [tilespmem:$0xC0]  }
0x24: {  	v10 =	vld [tilespmem:$0x150]  }
0x25: {  	v11 =	vld [tilespmem:$0xD0]  }
0x26: {  	v12 =	vld [tilespmem:$0x160]  }
0x27: {  	v55 =	vld [tilespmem:$0xE0];
	v0 =	vmul.f32 v1, v0  }
0x28: {  	v56 =	vld [tilespmem:$0x170];
	v2 =	vmul.f32 v3, v2  }
0x29: {  	v58 =	vld [tilespmem:$0xF0];
	v57 =	vmul.f32 v5, v4;
	[tilespmem:$0x180] =	vst v0  }
0x2a: {  	v59 =	vmul.f32 v7, v6;
	[tilespmem:$0x190] =	vst v2  }
0x2b: {  	v60 =	vmul.f32 v9, v8;
	[tilespmem:$0x1A0] =	vst v57  }
0x2c: {  	v61 =	vmul.f32 v11, v10;
	[tilespmem:$0x1B0] =	vst v59  }
0x2d: {  	v62 =	vmul.f32 v55, v12;
	[tilespmem:$0x1C0] =	vst v60  }
0x2e: {  	v63 =	vmul.f32 v58, v56;
	[tilespmem:$0x1D0] =	vst v61  }
0x2f: {  	[tilespmem:$0x1E0] =	vst v62  }
0x30: {  	[tilespmem:$0x1F0] =	vst v63  }
0x31: {  	[hbm4b:s6+s1] =	stream.linear.scatter [tilespmem:s15], [sflag:$0x1], $0x80, $0x38;
	[tilespmem:$0x200] =	vst v63  }
0x32: {  	_ =	swait.ge [sflag:s13], $0x80  }
0x33: {  	[sflag:s13] =	ssyncset.done $0x0  }
0x34: {  	[sflag:s13] =	ssyncadd.s32 $0xFFFFFF80  }
0x35: {  	[hbm4b:s7+s1] =	stream.linear.scatter [tilespmem:s16], [sflag:$0x1], $0x80, $0x38;
	[tilespmem:$0x200] =	vst v63  }
0x36: {  	_ =	swait.ge [sflag:s13], $0x80  }
0x37: {  	[sflag:s13] =	ssyncset.done $0x0  }
0x38: {  	s17 =	simm.s32 @!p0 $0x0;
	s18 =	simm.s32 @!p0 $0x1;
	[sflag:s13] =	ssyncadd.s32 $0xFFFFFF80  }
0x39: {  	[tilespmem:s17], [sflag:$0x1] =	stream.linear.gather @!p0 [hbm4b:s8+s17], $0x80, $0x38;
	[tilespmem:$0x200] =	vst v63  }
0x3a: {  	_ =	swait.ge @!p0 [sflag:s18], $0x80  }
0x3b: {  	[sflag:s18] =	ssyncset.done @!p0 $0x0  }
0x3c: {  	s19 =	simm.s32 @!p0 $0x100;
	[sflag:s18] =	ssyncadd.s32 @!p0 $0xFFFFFF80  }
0x3d: {  	[tilespmem:s19], [sflag:$0x1] =	stream.linear.gather @!p0 [hbm4b:s9+s17], $0x80, $0x38;
	[tilespmem:$0x200] =	vst v63  }
0x3e: {  	_ =	swait.ge @!p0 [sflag:s18], $0x80  }
0x3f: {  	[sflag:s18] =	ssyncset.done @!p0 $0x0  }
0x40: {  	s19 =	simm.s32 @!p0 $0x80;
	[sflag:s18] =	ssyncadd.s32 @!p0 $0xFFFFFF80  }
0x41: {  	[tilespmem:s19], [sflag:$0x1] =	stream.indirect.gather @!p0 [hbm4b:s3+s19], $0x1, s17, s19, $0xb8;
	[tilespmem:$0x200] =	vst v63  }
0x42: {  	_ =	swait.ge @!p0 [sflag:s18], $0x80  }
0x43: {  	[sflag:s18] =	ssyncset.done @!p0 $0x0  }
0x44: {  	[sflag:s18] =	ssyncadd.s32 @!p0 $0xFFFFFF80  }
0x45: {  	v0 =	vld @!p0 [tilespmem:$0x100]  }
0x46: {  	v1 =	vld @!p0 [tilespmem:$0x80]  }
0x47: {  	v2 =	vld @!p0 [tilespmem:$0x110]  }
0x48: {  	v3 =	vld @!p0 [tilespmem:$0x90]  }
0x49: {  	v4 =	vld @!p0 [tilespmem:$0x120]  }
0x4a: {  	v5 =	vld @!p0 [tilespmem:$0xA0]  }
0x4b: {  	v6 =	vld @!p0 [tilespmem:$0x130]  }
0x4c: {  	v7 =	vld @!p0 [tilespmem:$0xB0]  }
0x4d: {  	v8 =	vld @!p0 [tilespmem:$0x140]  }
0x4e: {  	v9 =	vld @!p0 [tilespmem:$0xC0]  }
0x4f: {  	v10 =	vld @!p0 [tilespmem:$0x150]  }
0x50: {  	v11 =	vld @!p0 [tilespmem:$0xD0]  }
0x51: {  	v12 =	vld @!p0 [tilespmem:$0x160]  }
0x52: {  	v0 =	vmul.f32 @!p0 v1, v0;
	v1 =	vld @!p0 [tilespmem:$0xE0]  }
0x53: {  	v2 =	vmul.f32 @!p0 v3, v2;
	v3 =	vld @!p0 [tilespmem:$0x170]  }
0x54: {  	[tilespmem:$0x180] =	vst @!p0 v0;
	v0 =	vmul.f32 @!p0 v5, v4;
	v4 =	vld @!p0 [tilespmem:$0xF0]  }
0x55: {  	[tilespmem:$0x190] =	vst @!p0 v2;
	v2 =	vmul.f32 @!p0 v7, v6  }
0x56: {  	[tilespmem:$0x1A0] =	vst @!p0 v0;
	v0 =	vmul.f32 @!p0 v9, v8  }
0x57: {  	[tilespmem:$0x1B0] =	vst @!p0 v2;
	v2 =	vmul.f32 @!p0 v11, v10  }
0x58: {  	[tilespmem:$0x1C0] =	vst @!p0 v0;
	v0 =	vmul.f32 @!p0 v1, v12  }
0x59: {  	[tilespmem:$0x1D0] =	vst @!p0 v2;
	v1 =	vmul.f32 @!p0 v4, v3  }
0x5a: {  	[tilespmem:$0x1E0] =	vst @!p0 v0  }
0x5b: {  	[tilespmem:$0x1F0] =	vst @!p0 v1  }
0x5c: {  	[hbm4b:s10+s17] =	stream.linear.scatter @!p0 [tilespmem:s19], [sflag:$0x1], $0x80, $0x38;
	[tilespmem:$0x200] =	vst v63  }
0x5d: {  	s12 =	sadd.s32 $0xFFFFFFFF, s12;
	_ =	swait.ge @!p0 [sflag:s18], $0x80  }
0x5e: {  	p1 =	sne.s32 s12, $0x0;
	[sflag:s18] =	ssyncset.done @!p0 $0x0  }
.Ltmp0:
0x5f: {  	s19 =	simm.s32 @!p0 $0x180;
	[sflag:s18] =	ssyncadd.s32 @!p0 $0xFFFFFF80;
	(pc) =	sbr.rel @p1 .LBB2_1-.Ltmp0, $4  }
0x60: {  	[hbm4b:s11+s17] =	stream.linear.scatter @!p0 [tilespmem:s19], [sflag:$0x1], $0x80, $0x38;
	[tilespmem:$0x200] =	vst v63  }
0x61: {  	_ =	swait.ge @!p0 [sflag:s18], $0x80  }
0x62: {  	[sflag:s18] =	ssyncset.done @!p0 $0x0  }
0x63: {  	[sflag:s18] =	ssyncadd.s32 @!p0 $0xFFFFFF80  }
0x64: {  	_ =	sfence.sel $0x180000  }
0x65: {  	[bflag:$0x0] =	sbarrier.arrive $0xFFFF  }
0x66: {  	p0 =	sne.s32 s2, $0x0;
	_ =	strace $0x9000004A  }
0x67: {  	s0 =	sadd.s32 @!p0 $0x100000, s0;
	[bflag:$0x2] =	sbarrier.arrive $0xFFFF  }
0x68: {  	[sflag:s0] =	ssyncadd.tile.s32 @!p0 $0x1;
	_ =	shalt  }
.Lfunc_end2:
_tile_overlayer_lowered:
.L_overlay_start_2:
0x69: {  	(tag) =	ssettag $0x2  }
0x6a: {  	s0 =	rddreg [dreg:$0x0];
	s2 =	stileid.u32  }
0x6b: {  	s1 =	rddreg [dreg:$0x1];
	p0 =	sne.s32 s2, $0x0  }
0x6c: {  	s3 =	rddreg [dreg:$0x2];
	[bflag:$0x3] =	sbarrier.arrive $0xFFFF;
	s2 =	simm.s32 @!p0 $0x1C01  }
0x6d: {  	[timem:s3], [sflag:s2] =	dma.local @!p0 [hbm:s0], s1  }
0x6e: {  	s0 =	simm.s32 @!p0 $0x1  }
0x6f: {  	_ =	swait.ge @!p0 [sflag:s0], s1  }
0x70: {  	s1 =	ssub.s32 @!p0 $0x0, s1;
	[sflag:s0] =	ssyncset.done @!p0 $0x0  }
0x71: {  	[sflag:s0] =	ssyncadd.s32 @!p0 s1  }
0x72: {  	[bflag:$0x3] =	sbarrier.arrive $0xFFFF  }
0x73: {  	_ =	shalt  }

</sc_bundles>
